<compile_context>
chip_gen: v7x
topology: tpu7x:2x2x1
jax: 0.10.2.dev20260603
libtpu: 0.0.44.dev20260713+nightly
codegen_flags: <defaults>
</compile_context>

<pallas_src>
import jax
import jax.numpy as jnp
from jax import lax
from jax.experimental import pallas as pl
from jax.experimental.pallas import tpu as pltpu
from jax.experimental.pallas import tpu_sc as plsc

N_INSTRUMENTS = 1000
REVERB_LENGTH = 24000
BATCH = 1024

NC, NS, L = 2, 16, 16
NW = NC * NS
CHUNKS = 8
DC = REVERB_LENGTH // CHUNKS
B_PER_W = BATCH // NW
PAIRS = B_PER_W // 2
NBUF = 2


def _body(idx_hbm, table_hbm, out_hbm, idx_v, idxc_v, bufs, gsems, wsems):
    idxc_v = list(idxc_v)
    bufs = list(bufs)
    gsems = list(gsems)
    wsems = list(wsems)

    wid = lax.axis_index("s") * NC + lax.axis_index("c")
    base = wid * B_PER_W

    pltpu.sync_copy(idx_hbm.at[pl.ds(base, B_PER_W)], idx_v)

    iota = lax.iota(jnp.int32, L)
    lane_chunk = iota & (CHUNKS - 1)
    lane_row = iota >> 3

    def build_idx(p, slot):
        idx16 = idx_v[pl.ds((2 * p // L) * L, L)]
        rows = idx16.at[(2 * p) % L + lane_row].get(mode="promise_in_bounds")
        idxc_v[slot][...] = rows * CHUNKS + lane_chunk

    def start_gather(slot):
        pltpu.async_copy(table_hbm.at[idxc_v[slot]], bufs[slot], gsems[slot])

    def write_copy(p, slot):
        return pltpu.make_async_copy(
            bufs[slot], out_hbm.at[pl.ds((base + 2 * p) * CHUNKS, L)],
            wsems[slot])

    for s in range(NBUF):
        build_idx(s, s)
        start_gather(s)

    for p in range(PAIRS):
        s = p % NBUF
        pltpu.make_async_copy(table_hbm.at[idxc_v[s]], bufs[s],
                              gsems[s]).wait()
        write_copy(p, s).start()
        if p + NBUF < PAIRS:
            build_idx(p + NBUF, s)
            write_copy(p, s).wait()
            start_gather(s)

    for p in range(PAIRS - NBUF, PAIRS):
        write_copy(p, p % NBUF).wait()


@jax.jit
def _gather(idx, table2):
    mesh = plsc.VectorSubcoreMesh(core_axis_name="c", subcore_axis_name="s")
    run = pl.kernel(
        _body,
        out_type=jax.ShapeDtypeStruct((BATCH * CHUNKS, DC), jnp.float32),
        mesh=mesh,
        scratch_types=[
            pltpu.VMEM((B_PER_W,), jnp.int32),
            [pltpu.VMEM((L,), jnp.int32) for _ in range(NBUF)],
            [pltpu.VMEM((L, DC), jnp.float32) for _ in range(NBUF)],
            [pltpu.SemaphoreType.DMA for _ in range(NBUF)],
            [pltpu.SemaphoreType.DMA for _ in range(NBUF)],
        ],
        compiler_params=pltpu.CompilerParams(use_tc_tiling_on_sc=False),
    )
    return run(idx, table2)


def kernel(piano_model, reverb_dict_weight):
    idx = piano_model.astype(jnp.int32)
    table2 = reverb_dict_weight.reshape(N_INSTRUMENTS * CHUNKS, DC)
    out2 = _gather(idx, table2)
    return out2.reshape(BATCH, REVERB_LENGTH)

# --- scband reference (transcript-rebuilt; emitter-appended) ---
"""Pipeline reference for scband-multi-instrument-reverb-7395933684324 (READ-ONLY COPY).

The authoritative reference and input builder live on the scoring server;
editing this copy changes nothing except your own understanding.
"""

import jax, jax.numpy as jnp
import numpy as np

N_INSTRUMENTS = 1000
REVERB_LENGTH = 24000
BATCH = 1024

def setup_inputs(seed: int = 0) -> dict:
    key = jax.random.key(seed)
    k1, k2 = jax.random.split(key)
    piano_model = jax.random.randint(k1, (BATCH,), 0, N_INSTRUMENTS, dtype=jnp.int64 if jax.config.jax_enable_x64 else jnp.int32)
    reverb_dict_weight = jax.random.normal(k2, (N_INSTRUMENTS, REVERB_LENGTH), dtype=jnp.float32) * 1e-6
    return {"piano_model": piano_model, "reverb_dict_weight": reverb_dict_weight}

def reference(piano_model, reverb_dict_weight):
    # Embedding lookup: gather impulse responses by instrument id
    ir = jnp.take(reverb_dict_weight, piano_model, axis=0)
    # Original: if indices were 2D, ir would be 3D and we'd take [:, 0].
    if ir.ndim == 3:
        ir = ir[:, 0]
    # inference=False, so no exponential decay mask applied
    return ir

if __name__ == "__main__":
    import jax
    _d = setup_inputs()
    print(jax.jit(kernel)(*tuple(_d.values())))

</pallas_src>

<mosaic_0001>
#map = affine_map<(d0, d1) -> (0)>
#map1 = affine_map<(d0, d1) -> (0, 0)>
module attributes {stable_mosaic.version = 14 : i64} {
  func.func @_body(%arg0: i32, %arg1: i32, %arg2: memref<1024xi32, #tpu.memory_space<hbm>>, %arg3: memref<8000x3000xf32, #tpu.memory_space<hbm>>, %arg4: memref<8192x3000xf32, #tpu.memory_space<hbm>>, %arg5: memref<32xi32, #tpu.memory_space<vmem>>, %arg6: memref<16xi32, #tpu.memory_space<vmem>>, %arg7: memref<16xi32, #tpu.memory_space<vmem>>, %arg8: memref<16x3000xf32, #tpu.memory_space<vmem>>, %arg9: memref<16x3000xf32, #tpu.memory_space<vmem>>, %arg10: memref<!tpu.dma_semaphore, #tpu.memory_space<semaphore_mem>>, %arg11: memref<!tpu.dma_semaphore, #tpu.memory_space<semaphore_mem>>, %arg12: memref<!tpu.dma_semaphore, #tpu.memory_space<semaphore_mem>>, %arg13: memref<!tpu.dma_semaphore, #tpu.memory_space<semaphore_mem>>) attributes {dimension_semantics = [#tpu.dimension_semantics<core_parallel>, #tpu.dimension_semantics<subcore_parallel>], iteration_bounds = array<i64: 2, 16>, scalar_prefetch = 0 : i64, scratch_operands = 9 : i64, tpu.core_type = #tpu.core_type<sc_vector_subcore>, window_params = [{transform_indices = #map}, {transform_indices = #map1}, {transform_indices = #map1}]} {
    %mul3A = arith.constant 2 : i32
    %mul3A_0 = arith.muli %arg1, %mul3A : i32
    %add3A = arith.addi %mul3A_0, %arg0 : i32
    %mul3A_1 = arith.constant 32 : i32
    %mul3A_2 = arith.muli %add3A, %mul3A_1 : i32
    "tpu.region"() ({
      %run_scoped3A = tpu.sem_alloc : memref<!tpu.dma_semaphore, #tpu.memory_space<semaphore_mem>>
      %dma_start3A_735 = tpu.memref_slice %arg2[%mul3A_2] : memref<1024xi32, #tpu.memory_space<hbm>> -> memref<32xi32, #tpu.memory_space<hbm>>
      %dma_start3A_736 = tpu.memref_slice %arg2[%mul3A_2] : memref<1024xi32, #tpu.memory_space<hbm>> -> memref<32xi32, #tpu.memory_space<hbm>>
      tpu.enqueue_dma source(%dma_start3A_736 : memref<32xi32, #tpu.memory_space<hbm>>) target(%arg5 : memref<32xi32, #tpu.memory_space<vmem>>) target_semaphore(%run_scoped3A : memref<!tpu.dma_semaphore, #tpu.memory_space<semaphore_mem>>)
      %dma_wait3A_737 = tpu.memref_slice %arg2[%mul3A_2] : memref<1024xi32, #tpu.memory_space<hbm>> -> memref<32xi32, #tpu.memory_space<hbm>>
      %dma_wait3A_738 = tpu.memref_slice %arg2[%mul3A_2] : memref<1024xi32, #tpu.memory_space<hbm>> -> memref<32xi32, #tpu.memory_space<hbm>>
      tpu.wait_dma2 semaphore(%run_scoped3A : memref<!tpu.dma_semaphore, #tpu.memory_space<semaphore_mem>>) src(%dma_wait3A_738 : memref<32xi32, #tpu.memory_space<hbm>>) dst(%arg5 : memref<32xi32, #tpu.memory_space<vmem>>)
      tpu.yield
    }) : () -> ()
    %iota3A = tpu.iota {dimensions = array<i32: 0>} : vector<16xi32>
    %and3A = arith.constant 7 : i32
    %and3A_3 = vector.broadcast %and3A : i32 to vector<16xi32>
    %and3A_4 = arith.andi %iota3A, %and3A_3 : vector<16xi32>
    %shift_right_arithmetic3A = arith.constant 3 : i32
    %shift_right_arithmetic3A_5 = vector.broadcast %shift_right_arithmetic3A : i32 to vector<16xi32>
    %shift_right_arithmetic3A_6 = arith.shrsi %iota3A, %shift_right_arithmetic3A_5 : vector<16xi32>
    %get3A = arith.constant 0 : index
    %get3A_7 = tpu.vector_load %arg5[%get3A] {strides = array<i32>} : memref<32xi32, #tpu.memory_space<vmem>>, vector<16xi32>,
    %get3A_8 = vector.shape_cast %get3A_7 : vector<16xi32> to vector<16xi32>
    %add3A_9 = arith.constant 0 : i32
    %add3A_10 = vector.broadcast %add3A_9 : i32 to vector<16xi32>
    %add3A_11 = arith.addi %add3A_10, %shift_right_arithmetic3A_6 : vector<16xi32>
    %lt3A = arith.constant 0 : i32
    %lt3A_12 = vector.broadcast %lt3A : i32 to vector<16xi32>
    %lt3A_13 = arith.cmpi slt, %add3A_11, %lt3A_12 : vector<16xi32>
    %add3A_14 = arith.constant 16 : i32
    %add3A_15 = vector.broadcast %add3A_14 : i32 to vector<16xi32>
    %add3A_16 = arith.addi %add3A_11, %add3A_15 : vector<16xi32>
    %select_n3A = arith.select %lt3A_13, %add3A_16, %add3A_11 : vector<16xi1>, vector<16xi32>
    %broadcast_in_dim3A = vector.shape_cast %select_n3A : vector<16xi32> to vector<16x1xi32>
    %gather3A = vector.shape_cast %broadcast_in_dim3A : vector<16x1xi32> to vector<16xi32>
    %gather3A_17 = tpu.dynamic_gather %get3A_8[%gather3A] in [0] : vector<16xi32>, vector<16xi32> -> vector<16xi32>
    %mul3A_18 = arith.constant 8 : i32
    %mul3A_19 = vector.broadcast %mul3A_18 : i32 to vector<16xi32>
    %mul3A_20 = arith.muli %gather3A_17, %mul3A_19 : vector<16xi32>
    %add3A_21 = arith.addi %mul3A_20, %and3A_4 : vector<16xi32>
    %swap3A = arith.constant 0 : index
    %swap3A_22 = tpu.vector_load %arg6[%swap3A] {strides = array<i32>} : memref<16xi32, #tpu.memory_space<vmem>>, vector<16xi32>,
    %swap3A_23 = vector.shape_cast %swap3A_22 : vector<16xi32> to vector<16xi32>
    %swap3A_24 = vector.shape_cast %add3A_21 : vector<16xi32> to vector<16xi32>
    tpu.vector_store %arg6[%swap3A], %swap3A_24 {strides = array<i32>} : memref<16xi32, #tpu.memory_space<vmem>>, vector<16xi32>,
    %dma_start3A = arith.constant 0 : i32
    %dma_start3A_25 = arith.constant 0 : i32
    %dma_start3A_26 = tpu.memref_slice %arg3[%dma_start3A, %dma_start3A_25] : memref<8000x3000xf32, #tpu.memory_space<hbm>> -> memref<8000x3000xf32, #tpu.memory_space<hbm>>
    tpu.enqueue_indirect_dma source(%dma_start3A_26 : memref<8000x3000xf32, #tpu.memory_space<hbm>>) target(%arg8 : memref<16x3000xf32, #tpu.memory_space<vmem>>) offsets(%arg6 : memref<16xi32, #tpu.memory_space<vmem>>) semaphore(%arg10 : memref<!tpu.dma_semaphore, #tpu.memory_space<semaphore_mem>>)
    %get3A_27 = arith.constant 0 : index
    %get3A_28 = tpu.vector_load %arg5[%get3A_27] {strides = array<i32>} : memref<32xi32, #tpu.memory_space<vmem>>, vector<16xi32>,
    %get3A_29 = vector.shape_cast %get3A_28 : vector<16xi32> to vector<16xi32>
    %add3A_30 = arith.constant 2 : i32
    %add3A_31 = vector.broadcast %add3A_30 : i32 to vector<16xi32>
    %add3A_32 = arith.addi %add3A_31, %shift_right_arithmetic3A_6 : vector<16xi32>
    %lt3A_33 = arith.constant 0 : i32
    %lt3A_34 = vector.broadcast %lt3A_33 : i32 to vector<16xi32>
    %lt3A_35 = arith.cmpi slt, %add3A_32, %lt3A_34 : vector<16xi32>
    %add3A_36 = arith.constant 16 : i32
    %add3A_37 = vector.broadcast %add3A_36 : i32 to vector<16xi32>
    %add3A_38 = arith.addi %add3A_32, %add3A_37 : vector<16xi32>
    %select_n3A_39 = arith.select %lt3A_35, %add3A_38, %add3A_32 : vector<16xi1>, vector<16xi32>
    %broadcast_in_dim3A_40 = vector.shape_cast %select_n3A_39 : vector<16xi32> to vector<16x1xi32>
    %gather3A_41 = vector.shape_cast %broadcast_in_dim3A_40 : vector<16x1xi32> to vector<16xi32>
    %gather3A_42 = tpu.dynamic_gather %get3A_29[%gather3A_41] in [0] : vector<16xi32>, vector<16xi32> -> vector<16xi32>
    %mul3A_43 = arith.constant 8 : i32
    %mul3A_44 = vector.broadcast %mul3A_43 : i32 to vector<16xi32>
    %mul3A_45 = arith.muli %gather3A_42, %mul3A_44 : vector<16xi32>
    %add3A_46 = arith.addi %mul3A_45, %and3A_4 : vector<16xi32>
    %swap3A_47 = arith.constant 0 : index
    %swap3A_48 = tpu.vector_load %arg7[%swap3A_47] {strides = array<i32>} : memref<16xi32, #tpu.memory_space<vmem>>, vector<16xi32>,
    %swap3A_49 = vector.shape_cast %swap3A_48 : vector<16xi32> to vector<16xi32>
    %swap3A_50 = vector.shape_cast %add3A_46 : vector<16xi32> to vector<16xi32>
    tpu.vector_store %arg7[%swap3A_47], %swap3A_50 {strides = array<i32>} : memref<16xi32, #tpu.memory_space<vmem>>, vector<16xi32>,
    %dma_start3A_51 = arith.constant 0 : i32
    %dma_start3A_52 = arith.constant 0 : i32
    %dma_start3A_53 = tpu.memref_slice %arg3[%dma_start3A_51, %dma_start3A_52] : memref<8000x3000xf32, #tpu.memory_space<hbm>> -> memref<8000x3000xf32, #tpu.memory_space<hbm>>
    tpu.enqueue_indirect_dma source(%dma_start3A_53 : memref<8000x3000xf32, #tpu.memory_space<hbm>>) target(%arg9 : memref<16x3000xf32, #tpu.memory_space<vmem>>) offsets(%arg7 : memref<16xi32, #tpu.memory_space<vmem>>) semaphore(%arg11 : memref<!tpu.dma_semaphore, #tpu.memory_space<semaphore_mem>>)
    %dma_wait3A = arith.constant 0 : i32
    %dma_wait3A_54 = arith.constant 0 : i32
    %dma_wait3A_55 = tpu.memref_slice %arg3[%dma_wait3A, %dma_wait3A_54] : memref<8000x3000xf32, #tpu.memory_space<hbm>> -> memref<8000x3000xf32, #tpu.memory_space<hbm>>
    tpu.wait_indirect_dma semaphore(%arg10 : memref<!tpu.dma_semaphore, #tpu.memory_space<semaphore_mem>>) src(%dma_wait3A_55 : memref<8000x3000xf32, #tpu.memory_space<hbm>>) dst(%arg8 : memref<16x3000xf32, #tpu.memory_space<vmem>>)
    %add3A_56 = arith.constant 0 : i32
    %add3A_57 = arith.addi %mul3A_2, %add3A_56 : i32
    %mul3A_58 = arith.constant 8 : i32
    %mul3A_59 = arith.muli %add3A_57, %mul3A_58 : i32
    %dma_start3A_60 = arith.constant 0 : i32
    %dma_start3A_61 = tpu.memref_slice %arg4[%mul3A_59, %dma_start3A_60] : memref<8192x3000xf32, #tpu.memory_space<hbm>> -> memref<16x3000xf32, #tpu.memory_space<hbm>>
    %dma_start3A_62 = arith.constant 0 : i32
    %dma_start3A_63 = tpu.memref_slice %arg4[%mul3A_59, %dma_start3A_62] : memref<8192x3000xf32, #tpu.memory_space<hbm>> -> memref<16x3000xf32, #tpu.memory_space<hbm>>
    tpu.enqueue_dma source(%arg8 : memref<16x3000xf32, #tpu.memory_space<vmem>>) target(%dma_start3A_63 : memref<16x3000xf32, #tpu.memory_space<hbm>>) target_semaphore(%arg12 : memref<!tpu.dma_semaphore, #tpu.memory_space<semaphore_mem>>)
    %get3A_64 = arith.constant 0 : index
    %get3A_65 = tpu.vector_load %arg5[%get3A_64] {strides = array<i32>} : memref<32xi32, #tpu.memory_space<vmem>>, vector<16xi32>,
    %get3A_66 = vector.shape_cast %get3A_65 : vector<16xi32> to vector<16xi32>
    %add3A_67 = arith.constant 4 : i32
    %add3A_68 = vector.broadcast %add3A_67 : i32 to vector<16xi32>
    %add3A_69 = arith.addi %add3A_68, %shift_right_arithmetic3A_6 : vector<16xi32>
    %lt3A_70 = arith.constant 0 : i32
    %lt3A_71 = vector.broadcast %lt3A_70 : i32 to vector<16xi32>
    %lt3A_72 = arith.cmpi slt, %add3A_69, %lt3A_71 : vector<16xi32>
    %add3A_73 = arith.constant 16 : i32
    %add3A_74 = vector.broadcast %add3A_73 : i32 to vector<16xi32>
    %add3A_75 = arith.addi %add3A_69, %add3A_74 : vector<16xi32>
    %select_n3A_76 = arith.select %lt3A_72, %add3A_75, %add3A_69 : vector<16xi1>, vector<16xi32>
    %broadcast_in_dim3A_77 = vector.shape_cast %select_n3A_76 : vector<16xi32> to vector<16x1xi32>
    %gather3A_78 = vector.shape_cast %broadcast_in_dim3A_77 : vector<16x1xi32> to vector<16xi32>
    %gather3A_79 = tpu.dynamic_gather %get3A_66[%gather3A_78] in [0] : vector<16xi32>, vector<16xi32> -> vector<16xi32>
    %mul3A_80 = arith.constant 8 : i32
    %mul3A_81 = vector.broadcast %mul3A_80 : i32 to vector<16xi32>
    %mul3A_82 = arith.muli %gather3A_79, %mul3A_81 : vector<16xi32>
    %add3A_83 = arith.addi %mul3A_82, %and3A_4 : vector<16xi32>
    %swap3A_84 = arith.constant 0 : index
    %swap3A_85 = tpu.vector_load %arg6[%swap3A_84] {strides = array<i32>} : memref<16xi32, #tpu.memory_space<vmem>>, vector<16xi32>,
    %swap3A_86 = vector.shape_cast %swap3A_85 : vector<16xi32> to vector<16xi32>
    %swap3A_87 = vector.shape_cast %add3A_83 : vector<16xi32> to vector<16xi32>
    tpu.vector_store %arg6[%swap3A_84], %swap3A_87 {strides = array<i32>} : memref<16xi32, #tpu.memory_space<vmem>>, vector<16xi32>,
    %add3A_88 = arith.constant 0 : i32
    %add3A_89 = arith.addi %mul3A_2, %add3A_88 : i32
    %mul3A_90 = arith.constant 8 : i32
    %mul3A_91 = arith.muli %add3A_89, %mul3A_90 : i32
    %dma_wait3A_92 = arith.constant 0 : i32
    %dma_wait3A_93 = tpu.memref_slice %arg4[%mul3A_91, %dma_wait3A_92] : memref<8192x3000xf32, #tpu.memory_space<hbm>> -> memref<16x3000xf32, #tpu.memory_space<hbm>>
    %dma_wait3A_94 = arith.constant 0 : i32
    %dma_wait3A_95 = tpu.memref_slice %arg4[%mul3A_91, %dma_wait3A_94] : memref<8192x3000xf32, #tpu.memory_space<hbm>> -> memref<16x3000xf32, #tpu.memory_space<hbm>>
    tpu.wait_dma2 semaphore(%arg12 : memref<!tpu.dma_semaphore, #tpu.memory_space<semaphore_mem>>) src(%arg8 : memref<16x3000xf32, #tpu.memory_space<vmem>>) dst(%dma_wait3A_95 : memref<16x3000xf32, #tpu.memory_space<hbm>>)
    %dma_start3A_96 = arith.constant 0 : i32
    %dma_start3A_97 = arith.constant 0 : i32
    %dma_start3A_98 = tpu.memref_slice %arg3[%dma_start3A_96, %dma_start3A_97] : memref<8000x3000xf32, #tpu.memory_space<hbm>> -> memref<8000x3000xf32, #tpu.memory_space<hbm>>
    tpu.enqueue_indirect_dma source(%dma_start3A_98 : memref<8000x3000xf32, #tpu.memory_space<hbm>>) target(%arg8 : memref<16x3000xf32, #tpu.memory_space<vmem>>) offsets(%arg6 : memref<16xi32, #tpu.memory_space<vmem>>) semaphore(%arg10 : memref<!tpu.dma_semaphore, #tpu.memory_space<semaphore_mem>>)
    %dma_wait3A_99 = arith.constant 0 : i32
    %dma_wait3A_100 = arith.constant 0 : i32
    %dma_wait3A_101 = tpu.memref_slice %arg3[%dma_wait3A_99, %dma_wait3A_100] : memref<8000x3000xf32, #tpu.memory_space<hbm>> -> memref<8000x3000xf32, #tpu.memory_space<hbm>>
    tpu.wait_indirect_dma semaphore(%arg11 : memref<!tpu.dma_semaphore, #tpu.memory_space<semaphore_mem>>) src(%dma_wait3A_101 : memref<8000x3000xf32, #tpu.memory_space<hbm>>) dst(%arg9 : memref<16x3000xf32, #tpu.memory_space<vmem>>)
    %add3A_102 = arith.constant 2 : i32
    %add3A_103 = arith.addi %mul3A_2, %add3A_102 : i32
    %mul3A_104 = arith.constant 8 : i32
    %mul3A_105 = arith.muli %add3A_103, %mul3A_104 : i32
    %dma_start3A_106 = arith.constant 0 : i32
    %dma_start3A_107 = tpu.memref_slice %arg4[%mul3A_105, %dma_start3A_106] : memref<8192x3000xf32, #tpu.memory_space<hbm>> -> memref<16x3000xf32, #tpu.memory_space<hbm>>
    %dma_start3A_108 = arith.constant 0 : i32
    %dma_start3A_109 = tpu.memref_slice %arg4[%mul3A_105, %dma_start3A_108] : memref<8192x3000xf32, #tpu.memory_space<hbm>> -> memref<16x3000xf32, #tpu.memory_space<hbm>>
    tpu.enqueue_dma source(%arg9 : memref<16x3000xf32, #tpu.memory_space<vmem>>) target(%dma_start3A_109 : memref<16x3000xf32, #tpu.memory_space<hbm>>) target_semaphore(%arg13 : memref<!tpu.dma_semaphore, #tpu.memory_space<semaphore_mem>>)
    %get3A_110 = arith.constant 0 : index
    %get3A_111 = tpu.vector_load %arg5[%get3A_110] {strides = array<i32>} : memref<32xi32, #tpu.memory_space<vmem>>, vector<16xi32>,
    %get3A_112 = vector.shape_cast %get3A_111 : vector<16xi32> to vector<16xi32>
    %add3A_113 = arith.constant 6 : i32
    %add3A_114 = vector.broadcast %add3A_113 : i32 to vector<16xi32>
    %add3A_115 = arith.addi %add3A_114, %shift_right_arithmetic3A_6 : vector<16xi32>
    %lt3A_116 = arith.constant 0 : i32
    %lt3A_117 = vector.broadcast %lt3A_116 : i32 to vector<16xi32>
    %lt3A_118 = arith.cmpi slt, %add3A_115, %lt3A_117 : vector<16xi32>
    %add3A_119 = arith.constant 16 : i32
    %add3A_120 = vector.broadcast %add3A_119 : i32 to vector<16xi32>
    %add3A_121 = arith.addi %add3A_115, %add3A_120 : vector<16xi32>
    %select_n3A_122 = arith.select %lt3A_118, %add3A_121, %add3A_115 : vector<16xi1>, vector<16xi32>
    %broadcast_in_dim3A_123 = vector.shape_cast %select_n3A_122 : vector<16xi32> to vector<16x1xi32>
    %gather3A_124 = vector.shape_cast %broadcast_in_dim3A_123 : vector<16x1xi32> to vector<16xi32>
    %gather3A_125 = tpu.dynamic_gather %get3A_112[%gather3A_124] in [0] : vector<16xi32>, vector<16xi32> -> vector<16xi32>
    %mul3A_126 = arith.constant 8 : i32
    %mul3A_127 = vector.broadcast %mul3A_126 : i32 to vector<16xi32>
    %mul3A_128 = arith.muli %gather3A_125, %mul3A_127 : vector<16xi32>
    %add3A_129 = arith.addi %mul3A_128, %and3A_4 : vector<16xi32>
    %swap3A_130 = arith.constant 0 : index
    %swap3A_131 = tpu.vector_load %arg7[%swap3A_130] {strides = array<i32>} : memref<16xi32, #tpu.memory_space<vmem>>, vector<16xi32>,
    %swap3A_132 = vector.shape_cast %swap3A_131 : vector<16xi32> to vector<16xi32>
    %swap3A_133 = vector.shape_cast %add3A_129 : vector<16xi32> to vector<16xi32>
    tpu.vector_store %arg7[%swap3A_130], %swap3A_133 {strides = array<i32>} : memref<16xi32, #tpu.memory_space<vmem>>, vector<16xi32>,
    %add3A_134 = arith.constant 2 : i32
    %add3A_135 = arith.addi %mul3A_2, %add3A_134 : i32
    %mul3A_136 = arith.constant 8 : i32
    %mul3A_137 = arith.muli %add3A_135, %mul3A_136 : i32
    %dma_wait3A_138 = arith.constant 0 : i32
    %dma_wait3A_139 = tpu.memref_slice %arg4[%mul3A_137, %dma_wait3A_138] : memref<8192x3000xf32, #tpu.memory_space<hbm>> -> memref<16x3000xf32, #tpu.memory_space<hbm>>
    %dma_wait3A_140 = arith.constant 0 : i32
    %dma_wait3A_141 = tpu.memref_slice %arg4[%mul3A_137, %dma_wait3A_140] : memref<8192x3000xf32, #tpu.memory_space<hbm>> -> memref<16x3000xf32, #tpu.memory_space<hbm>>
    tpu.wait_dma2 semaphore(%arg13 : memref<!tpu.dma_semaphore, #tpu.memory_space<semaphore_mem>>) src(%arg9 : memref<16x3000xf32, #tpu.memory_space<vmem>>) dst(%dma_wait3A_141 : memref<16x3000xf32, #tpu.memory_space<hbm>>)
    %dma_start3A_142 = arith.constant 0 : i32
    %dma_start3A_143 = arith.constant 0 : i32
    %dma_start3A_144 = tpu.memref_slice %arg3[%dma_start3A_142, %dma_start3A_143] : memref<8000x3000xf32, #tpu.memory_space<hbm>> -> memref<8000x3000xf32, #tpu.memory_space<hbm>>
    tpu.enqueue_indirect_dma source(%dma_start3A_144 : memref<8000x3000xf32, #tpu.memory_space<hbm>>) target(%arg9 : memref<16x3000xf32, #tpu.memory_space<vmem>>) offsets(%arg7 : memref<16xi32, #tpu.memory_space<vmem>>) semaphore(%arg11 : memref<!tpu.dma_semaphore, #tpu.memory_space<semaphore_mem>>)
    %dma_wait3A_145 = arith.constant 0 : i32
    %dma_wait3A_146 = arith.constant 0 : i32
    %dma_wait3A_147 = tpu.memref_slice %arg3[%dma_wait3A_145, %dma_wait3A_146] : memref<8000x3000xf32, #tpu.memory_space<hbm>> -> memref<8000x3000xf32, #tpu.memory_space<hbm>>
    tpu.wait_indirect_dma semaphore(%arg10 : memref<!tpu.dma_semaphore, #tpu.memory_space<semaphore_mem>>) src(%dma_wait3A_147 : memref<8000x3000xf32, #tpu.memory_space<hbm>>) dst(%arg8 : memref<16x3000xf32, #tpu.memory_space<vmem>>)
    %add3A_148 = arith.constant 4 : i32
    %add3A_149 = arith.addi %mul3A_2, %add3A_148 : i32
    %mul3A_150 = arith.constant 8 : i32
    %mul3A_151 = arith.muli %add3A_149, %mul3A_150 : i32
    %dma_start3A_152 = arith.constant 0 : i32
    %dma_start3A_153 = tpu.memref_slice %arg4[%mul3A_151, %dma_start3A_152] : memref<8192x3000xf32, #tpu.memory_space<hbm>> -> memref<16x3000xf32, #tpu.memory_space<hbm>>
    %dma_start3A_154 = arith.constant 0 : i32
    %dma_start3A_155 = tpu.memref_slice %arg4[%mul3A_151, %dma_start3A_154] : memref<8192x3000xf32, #tpu.memory_space<hbm>> -> memref<16x3000xf32, #tpu.memory_space<hbm>>
    tpu.enqueue_dma source(%arg8 : memref<16x3000xf32, #tpu.memory_space<vmem>>) target(%dma_start3A_155 : memref<16x3000xf32, #tpu.memory_space<hbm>>) target_semaphore(%arg12 : memref<!tpu.dma_semaphore, #tpu.memory_space<semaphore_mem>>)
    %get3A_156 = arith.constant 0 : index
    %get3A_157 = tpu.vector_load %arg5[%get3A_156] {strides = array<i32>} : memref<32xi32, #tpu.memory_space<vmem>>, vector<16xi32>,
    %get3A_158 = vector.shape_cast %get3A_157 : vector<16xi32> to vector<16xi32>
    %add3A_159 = arith.constant 8 : i32
    %add3A_160 = vector.broadcast %add3A_159 : i32 to vector<16xi32>
    %add3A_161 = arith.addi %add3A_160, %shift_right_arithmetic3A_6 : vector<16xi32>
    %lt3A_162 = arith.constant 0 : i32
    %lt3A_163 = vector.broadcast %lt3A_162 : i32 to vector<16xi32>
    %lt3A_164 = arith.cmpi slt, %add3A_161, %lt3A_163 : vector<16xi32>
    %add3A_165 = arith.constant 16 : i32
    %add3A_166 = vector.broadcast %add3A_165 : i32 to vector<16xi32>
    %add3A_167 = arith.addi %add3A_161, %add3A_166 : vector<16xi32>
    %select_n3A_168 = arith.select %lt3A_164, %add3A_167, %add3A_161 : vector<16xi1>, vector<16xi32>
    %broadcast_in_dim3A_169 = vector.shape_cast %select_n3A_168 : vector<16xi32> to vector<16x1xi32>
    %gather3A_170 = vector.shape_cast %broadcast_in_dim3A_169 : vector<16x1xi32> to vector<16xi32>
    %gather3A_171 = tpu.dynamic_gather %get3A_158[%gather3A_170] in [0] : vector<16xi32>, vector<16xi32> -> vector<16xi32>
    %mul3A_172 = arith.constant 8 : i32
    %mul3A_173 = vector.broadcast %mul3A_172 : i32 to vector<16xi32>
    %mul3A_174 = arith.muli %gather3A_171, %mul3A_173 : vector<16xi32>
    %add3A_175 = arith.addi %mul3A_174, %and3A_4 : vector<16xi32>
    %swap3A_176 = arith.constant 0 : index
    %swap3A_177 = tpu.vector_load %arg6[%swap3A_176] {strides = array<i32>} : memref<16xi32, #tpu.memory_space<vmem>>, vector<16xi32>,
    %swap3A_178 = vector.shape_cast %swap3A_177 : vector<16xi32> to vector<16xi32>
    %swap3A_179 = vector.shape_cast %add3A_175 : vector<16xi32> to vector<16xi32>
    tpu.vector_store %arg6[%swap3A_176], %swap3A_179 {strides = array<i32>} : memref<16xi32, #tpu.memory_space<vmem>>, vector<16xi32>,
    %add3A_180 = arith.constant 4 : i32
    %add3A_181 = arith.addi %mul3A_2, %add3A_180 : i32
    %mul3A_182 = arith.constant 8 : i32
    %mul3A_183 = arith.muli %add3A_181, %mul3A_182 : i32
    %dma_wait3A_184 = arith.constant 0 : i32
    %dma_wait3A_185 = tpu.memref_slice %arg4[%mul3A_183, %dma_wait3A_184] : memref<8192x3000xf32, #tpu.memory_space<hbm>> -> memref<16x3000xf32, #tpu.memory_space<hbm>>
    %dma_wait3A_186 = arith.constant 0 : i32
    %dma_wait3A_187 = tpu.memref_slice %arg4[%mul3A_183, %dma_wait3A_186] : memref<8192x3000xf32, #tpu.memory_space<hbm>> -> memref<16x3000xf32, #tpu.memory_space<hbm>>
    tpu.wait_dma2 semaphore(%arg12 : memref<!tpu.dma_semaphore, #tpu.memory_space<semaphore_mem>>) src(%arg8 : memref<16x3000xf32, #tpu.memory_space<vmem>>) dst(%dma_wait3A_187 : memref<16x3000xf32, #tpu.memory_space<hbm>>)
    %dma_start3A_188 = arith.constant 0 : i32
    %dma_start3A_189 = arith.constant 0 : i32
    %dma_start3A_190 = tpu.memref_slice %arg3[%dma_start3A_188, %dma_start3A_189] : memref<8000x3000xf32, #tpu.memory_space<hbm>> -> memref<8000x3000xf32, #tpu.memory_space<hbm>>
    tpu.enqueue_indirect_dma source(%dma_start3A_190 : memref<8000x3000xf32, #tpu.memory_space<hbm>>) target(%arg8 : memref<16x3000xf32, #tpu.memory_space<vmem>>) offsets(%arg6 : memref<16xi32, #tpu.memory_space<vmem>>) semaphore(%arg10 : memref<!tpu.dma_semaphore, #tpu.memory_space<semaphore_mem>>)
    %dma_wait3A_191 = arith.constant 0 : i32
    %dma_wait3A_192 = arith.constant 0 : i32
    %dma_wait3A_193 = tpu.memref_slice %arg3[%dma_wait3A_191, %dma_wait3A_192] : memref<8000x3000xf32, #tpu.memory_space<hbm>> -> memref<8000x3000xf32, #tpu.memory_space<hbm>>
    tpu.wait_indirect_dma semaphore(%arg11 : memref<!tpu.dma_semaphore, #tpu.memory_space<semaphore_mem>>) src(%dma_wait3A_193 : memref<8000x3000xf32, #tpu.memory_space<hbm>>) dst(%arg9 : memref<16x3000xf32, #tpu.memory_space<vmem>>)
    %add3A_194 = arith.constant 6 : i32
    %add3A_195 = arith.addi %mul3A_2, %add3A_194 : i32
    %mul3A_196 = arith.constant 8 : i32
    %mul3A_197 = arith.muli %add3A_195, %mul3A_196 : i32
    %dma_start3A_198 = arith.constant 0 : i32
    %dma_start3A_199 = tpu.memref_slice %arg4[%mul3A_197, %dma_start3A_198] : memref<8192x3000xf32, #tpu.memory_space<hbm>> -> memref<16x3000xf32, #tpu.memory_space<hbm>>
    %dma_start3A_200 = arith.constant 0 : i32
    %dma_start3A_201 = tpu.memref_slice %arg4[%mul3A_197, %dma_start3A_200] : memref<8192x3000xf32, #tpu.memory_space<hbm>> -> memref<16x3000xf32, #tpu.memory_space<hbm>>
    tpu.enqueue_dma source(%arg9 : memref<16x3000xf32, #tpu.memory_space<vmem>>) target(%dma_start3A_201 : memref<16x3000xf32, #tpu.memory_space<hbm>>) target_semaphore(%arg13 : memref<!tpu.dma_semaphore, #tpu.memory_space<semaphore_mem>>)
    %get3A_202 = arith.constant 0 : index
    %get3A_203 = tpu.vector_load %arg5[%get3A_202] {strides = array<i32>} : memref<32xi32, #tpu.memory_space<vmem>>, vector<16xi32>,
    %get3A_204 = vector.shape_cast %get3A_203 : vector<16xi32> to vector<16xi32>
    %add3A_205 = arith.constant 10 : i32
    %add3A_206 = vector.broadcast %add3A_205 : i32 to vector<16xi32>
    %add3A_207 = arith.addi %add3A_206, %shift_right_arithmetic3A_6 : vector<16xi32>
    %lt3A_208 = arith.constant 0 : i32
    %lt3A_209 = vector.broadcast %lt3A_208 : i32 to vector<16xi32>
    %lt3A_210 = arith.cmpi slt, %add3A_207, %lt3A_209 : vector<16xi32>
    %add3A_211 = arith.constant 16 : i32
    %add3A_212 = vector.broadcast %add3A_211 : i32 to vector<16xi32>
    %add3A_213 = arith.addi %add3A_207, %add3A_212 : vector<16xi32>
    %select_n3A_214 = arith.select %lt3A_210, %add3A_213, %add3A_207 : vector<16xi1>, vector<16xi32>
    %broadcast_in_dim3A_215 = vector.shape_cast %select_n3A_214 : vector<16xi32> to vector<16x1xi32>
    %gather3A_216 = vector.shape_cast %broadcast_in_dim3A_215 : vector<16x1xi32> to vector<16xi32>
    %gather3A_217 = tpu.dynamic_gather %get3A_204[%gather3A_216] in [0] : vector<16xi32>, vector<16xi32> -> vector<16xi32>
    %mul3A_218 = arith.constant 8 : i32
    %mul3A_219 = vector.broadcast %mul3A_218 : i32 to vector<16xi32>
    %mul3A_220 = arith.muli %gather3A_217, %mul3A_219 : vector<16xi32>
    %add3A_221 = arith.addi %mul3A_220, %and3A_4 : vector<16xi32>
    %swap3A_222 = arith.constant 0 : index
    %swap3A_223 = tpu.vector_load %arg7[%swap3A_222] {strides = array<i32>} : memref<16xi32, #tpu.memory_space<vmem>>, vector<16xi32>,
    %swap3A_224 = vector.shape_cast %swap3A_223 : vector<16xi32> to vector<16xi32>
    %swap3A_225 = vector.shape_cast %add3A_221 : vector<16xi32> to vector<16xi32>
    tpu.vector_store %arg7[%swap3A_222], %swap3A_225 {strides = array<i32>} : memref<16xi32, #tpu.memory_space<vmem>>, vector<16xi32>,
    %add3A_226 = arith.constant 6 : i32
    %add3A_227 = arith.addi %mul3A_2, %add3A_226 : i32
    %mul3A_228 = arith.constant 8 : i32
    %mul3A_229 = arith.muli %add3A_227, %mul3A_228 : i32
    %dma_wait3A_230 = arith.constant 0 : i32
    %dma_wait3A_231 = tpu.memref_slice %arg4[%mul3A_229, %dma_wait3A_230] : memref<8192x3000xf32, #tpu.memory_space<hbm>> -> memref<16x3000xf32, #tpu.memory_space<hbm>>
    %dma_wait3A_232 = arith.constant 0 : i32
    %dma_wait3A_233 = tpu.memref_slice %arg4[%mul3A_229, %dma_wait3A_232] : memref<8192x3000xf32, #tpu.memory_space<hbm>> -> memref<16x3000xf32, #tpu.memory_space<hbm>>
    tpu.wait_dma2 semaphore(%arg13 : memref<!tpu.dma_semaphore, #tpu.memory_space<semaphore_mem>>) src(%arg9 : memref<16x3000xf32, #tpu.memory_space<vmem>>) dst(%dma_wait3A_233 : memref<16x3000xf32, #tpu.memory_space<hbm>>)
    %dma_start3A_234 = arith.constant 0 : i32
    %dma_start3A_235 = arith.constant 0 : i32
    %dma_start3A_236 = tpu.memref_slice %arg3[%dma_start3A_234, %dma_start3A_235] : memref<8000x3000xf32, #tpu.memory_space<hbm>> -> memref<8000x3000xf32, #tpu.memory_space<hbm>>
    tpu.enqueue_indirect_dma source(%dma_start3A_236 : memref<8000x3000xf32, #tpu.memory_space<hbm>>) target(%arg9 : memref<16x3000xf32, #tpu.memory_space<vmem>>) offsets(%arg7 : memref<16xi32, #tpu.memory_space<vmem>>) semaphore(%arg11 : memref<!tpu.dma_semaphore, #tpu.memory_space<semaphore_mem>>)
    %dma_wait3A_237 = arith.constant 0 : i32
    %dma_wait3A_238 = arith.constant 0 : i32
    %dma_wait3A_239 = tpu.memref_slice %arg3[%dma_wait3A_237, %dma_wait3A_238] : memref<8000x3000xf32, #tpu.memory_space<hbm>> -> memref<8000x3000xf32, #tpu.memory_space<hbm>>
    tpu.wait_indirect_dma semaphore(%arg10 : memref<!tpu.dma_semaphore, #tpu.memory_space<semaphore_mem>>) src(%dma_wait3A_239 : memref<8000x3000xf32, #tpu.memory_space<hbm>>) dst(%arg8 : memref<16x3000xf32, #tpu.memory_space<vmem>>)
    %add3A_240 = arith.constant 8 : i32
    %add3A_241 = arith.addi %mul3A_2, %add3A_240 : i32
    %mul3A_242 = arith.constant 8 : i32
    %mul3A_243 = arith.muli %add3A_241, %mul3A_242 : i32
    %dma_start3A_244 = arith.constant 0 : i32
    %dma_start3A_245 = tpu.memref_slice %arg4[%mul3A_243, %dma_start3A_244] : memref<8192x3000xf32, #tpu.memory_space<hbm>> -> memref<16x3000xf32, #tpu.memory_space<hbm>>
    %dma_start3A_246 = arith.constant 0 : i32
    %dma_start3A_247 = tpu.memref_slice %arg4[%mul3A_243, %dma_start3A_246] : memref<8192x3000xf32, #tpu.memory_space<hbm>> -> memref<16x3000xf32, #tpu.memory_space<hbm>>
    tpu.enqueue_dma source(%arg8 : memref<16x3000xf32, #tpu.memory_space<vmem>>) target(%dma_start3A_247 : memref<16x3000xf32, #tpu.memory_space<hbm>>) target_semaphore(%arg12 : memref<!tpu.dma_semaphore, #tpu.memory_space<semaphore_mem>>)
    %get3A_248 = arith.constant 0 : index
    %get3A_249 = tpu.vector_load %arg5[%get3A_248] {strides = array<i32>} : memref<32xi32, #tpu.memory_space<vmem>>, vector<16xi32>,
    %get3A_250 = vector.shape_cast %get3A_249 : vector<16xi32> to vector<16xi32>
    %add3A_251 = arith.constant 12 : i32
    %add3A_252 = vector.broadcast %add3A_251 : i32 to vector<16xi32>
    %add3A_253 = arith.addi %add3A_252, %shift_right_arithmetic3A_6 : vector<16xi32>
    %lt3A_254 = arith.constant 0 : i32
    %lt3A_255 = vector.broadcast %lt3A_254 : i32 to vector<16xi32>
    %lt3A_256 = arith.cmpi slt, %add3A_253, %lt3A_255 : vector<16xi32>
    %add3A_257 = arith.constant 16 : i32
    %add3A_258 = vector.broadcast %add3A_257 : i32 to vector<16xi32>
    %add3A_259 = arith.addi %add3A_253, %add3A_258 : vector<16xi32>
    %select_n3A_260 = arith.select %lt3A_256, %add3A_259, %add3A_253 : vector<16xi1>, vector<16xi32>
    %broadcast_in_dim3A_261 = vector.shape_cast %select_n3A_260 : vector<16xi32> to vector<16x1xi32>
    %gather3A_262 = vector.shape_cast %broadcast_in_dim3A_261 : vector<16x1xi32> to vector<16xi32>
    %gather3A_263 = tpu.dynamic_gather %get3A_250[%gather3A_262] in [0] : vector<16xi32>, vector<16xi32> -> vector<16xi32>
    %mul3A_264 = arith.constant 8 : i32
    %mul3A_265 = vector.broadcast %mul3A_264 : i32 to vector<16xi32>
    %mul3A_266 = arith.muli %gather3A_263, %mul3A_265 : vector<16xi32>
    %add3A_267 = arith.addi %mul3A_266, %and3A_4 : vector<16xi32>
    %swap3A_268 = arith.constant 0 : index
    %swap3A_269 = tpu.vector_load %arg6[%swap3A_268] {strides = array<i32>} : memref<16xi32, #tpu.memory_space<vmem>>, vector<16xi32>,
    %swap3A_270 = vector.shape_cast %swap3A_269 : vector<16xi32> to vector<16xi32>
    %swap3A_271 = vector.shape_cast %add3A_267 : vector<16xi32> to vector<16xi32>
    tpu.vector_store %arg6[%swap3A_268], %swap3A_271 {strides = array<i32>} : memref<16xi32, #tpu.memory_space<vmem>>, vector<16xi32>,
    %add3A_272 = arith.constant 8 : i32
    %add3A_273 = arith.addi %mul3A_2, %add3A_272 : i32
    %mul3A_274 = arith.constant 8 : i32
    %mul3A_275 = arith.muli %add3A_273, %mul3A_274 : i32
    %dma_wait3A_276 = arith.constant 0 : i32
    %dma_wait3A_277 = tpu.memref_slice %arg4[%mul3A_275, %dma_wait3A_276] : memref<8192x3000xf32, #tpu.memory_space<hbm>> -> memref<16x3000xf32, #tpu.memory_space<hbm>>
    %dma_wait3A_278 = arith.constant 0 : i32
    %dma_wait3A_279 = tpu.memref_slice %arg4[%mul3A_275, %dma_wait3A_278] : memref<8192x3000xf32, #tpu.memory_space<hbm>> -> memref<16x3000xf32, #tpu.memory_space<hbm>>
    tpu.wait_dma2 semaphore(%arg12 : memref<!tpu.dma_semaphore, #tpu.memory_space<semaphore_mem>>) src(%arg8 : memref<16x3000xf32, #tpu.memory_space<vmem>>) dst(%dma_wait3A_279 : memref<16x3000xf32, #tpu.memory_space<hbm>>)
    %dma_start3A_280 = arith.constant 0 : i32
    %dma_start3A_281 = arith.constant 0 : i32
    %dma_start3A_282 = tpu.memref_slice %arg3[%dma_start3A_280, %dma_start3A_281] : memref<8000x3000xf32, #tpu.memory_space<hbm>> -> memref<8000x3000xf32, #tpu.memory_space<hbm>>
    tpu.enqueue_indirect_dma source(%dma_start3A_282 : memref<8000x3000xf32, #tpu.memory_space<hbm>>) target(%arg8 : memref<16x3000xf32, #tpu.memory_space<vmem>>) offsets(%arg6 : memref<16xi32, #tpu.memory_space<vmem>>) semaphore(%arg10 : memref<!tpu.dma_semaphore, #tpu.memory_space<semaphore_mem>>)
    %dma_wait3A_283 = arith.constant 0 : i32
    %dma_wait3A_284 = arith.constant 0 : i32
    %dma_wait3A_285 = tpu.memref_slice %arg3[%dma_wait3A_283, %dma_wait3A_284] : memref<8000x3000xf32, #tpu.memory_space<hbm>> -> memref<8000x3000xf32, #tpu.memory_space<hbm>>
    tpu.wait_indirect_dma semaphore(%arg11 : memref<!tpu.dma_semaphore, #tpu.memory_space<semaphore_mem>>) src(%dma_wait3A_285 : memref<8000x3000xf32, #tpu.memory_space<hbm>>) dst(%arg9 : memref<16x3000xf32, #tpu.memory_space<vmem>>)
    %add3A_286 = arith.constant 10 : i32
    %add3A_287 = arith.addi %mul3A_2, %add3A_286 : i32
    %mul3A_288 = arith.constant 8 : i32
    %mul3A_289 = arith.muli %add3A_287, %mul3A_288 : i32
    %dma_start3A_290 = arith.constant 0 : i32
    %dma_start3A_291 = tpu.memref_slice %arg4[%mul3A_289, %dma_start3A_290] : memref<8192x3000xf32, #tpu.memory_space<hbm>> -> memref<16x3000xf32, #tpu.memory_space<hbm>>
    %dma_start3A_292 = arith.constant 0 : i32
    %dma_start3A_293 = tpu.memref_slice %arg4[%mul3A_289, %dma_start3A_292] : memref<8192x3000xf32, #tpu.memory_space<hbm>> -> memref<16x3000xf32, #tpu.memory_space<hbm>>
    tpu.enqueue_dma source(%arg9 : memref<16x3000xf32, #tpu.memory_space<vmem>>) target(%dma_start3A_293 : memref<16x3000xf32, #tpu.memory_space<hbm>>) target_semaphore(%arg13 : memref<!tpu.dma_semaphore, #tpu.memory_space<semaphore_mem>>)
    %get3A_294 = arith.constant 0 : index
    %get3A_295 = tpu.vector_load %arg5[%get3A_294] {strides = array<i32>} : memref<32xi32, #tpu.memory_space<vmem>>, vector<16xi32>,
    %get3A_296 = vector.shape_cast %get3A_295 : vector<16xi32> to vector<16xi32>
    %add3A_297 = arith.constant 14 : i32
    %add3A_298 = vector.broadcast %add3A_297 : i32 to vector<16xi32>
    %add3A_299 = arith.addi %add3A_298, %shift_right_arithmetic3A_6 : vector<16xi32>
    %lt3A_300 = arith.constant 0 : i32
    %lt3A_301 = vector.broadcast %lt3A_300 : i32 to vector<16xi32>
    %lt3A_302 = arith.cmpi slt, %add3A_299, %lt3A_301 : vector<16xi32>
    %add3A_303 = arith.constant 16 : i32
    %add3A_304 = vector.broadcast %add3A_303 : i32 to vector<16xi32>
    %add3A_305 = arith.addi %add3A_299, %add3A_304 : vector<16xi32>
    %select_n3A_306 = arith.select %lt3A_302, %add3A_305, %add3A_299 : vector<16xi1>, vector<16xi32>
    %broadcast_in_dim3A_307 = vector.shape_cast %select_n3A_306 : vector<16xi32> to vector<16x1xi32>
    %gather3A_308 = vector.shape_cast %broadcast_in_dim3A_307 : vector<16x1xi32> to vector<16xi32>
    %gather3A_309 = tpu.dynamic_gather %get3A_296[%gather3A_308] in [0] : vector<16xi32>, vector<16xi32> -> vector<16xi32>
    %mul3A_310 = arith.constant 8 : i32
    %mul3A_311 = vector.broadcast %mul3A_310 : i32 to vector<16xi32>
    %mul3A_312 = arith.muli %gather3A_309, %mul3A_311 : vector<16xi32>
    %add3A_313 = arith.addi %mul3A_312, %and3A_4 : vector<16xi32>
    %swap3A_314 = arith.constant 0 : index
    %swap3A_315 = tpu.vector_load %arg7[%swap3A_314] {strides = array<i32>} : memref<16xi32, #tpu.memory_space<vmem>>, vector<16xi32>,
    %swap3A_316 = vector.shape_cast %swap3A_315 : vector<16xi32> to vector<16xi32>
    %swap3A_317 = vector.shape_cast %add3A_313 : vector<16xi32> to vector<16xi32>
    tpu.vector_store %arg7[%swap3A_314], %swap3A_317 {strides = array<i32>} : memref<16xi32, #tpu.memory_space<vmem>>, vector<16xi32>,
    %add3A_318 = arith.constant 10 : i32
    %add3A_319 = arith.addi %mul3A_2, %add3A_318 : i32
    %mul3A_320 = arith.constant 8 : i32
    %mul3A_321 = arith.muli %add3A_319, %mul3A_320 : i32
    %dma_wait3A_322 = arith.constant 0 : i32
    %dma_wait3A_323 = tpu.memref_slice %arg4[%mul3A_321, %dma_wait3A_322] : memref<8192x3000xf32, #tpu.memory_space<hbm>> -> memref<16x3000xf32, #tpu.memory_space<hbm>>
    %dma_wait3A_324 = arith.constant 0 : i32
    %dma_wait3A_325 = tpu.memref_slice %arg4[%mul3A_321, %dma_wait3A_324] : memref<8192x3000xf32, #tpu.memory_space<hbm>> -> memref<16x3000xf32, #tpu.memory_space<hbm>>
    tpu.wait_dma2 semaphore(%arg13 : memref<!tpu.dma_semaphore, #tpu.memory_space<semaphore_mem>>) src(%arg9 : memref<16x3000xf32, #tpu.memory_space<vmem>>) dst(%dma_wait3A_325 : memref<16x3000xf32, #tpu.memory_space<hbm>>)
    %dma_start3A_326 = arith.constant 0 : i32
    %dma_start3A_327 = arith.constant 0 : i32
    %dma_start3A_328 = tpu.memref_slice %arg3[%dma_start3A_326, %dma_start3A_327] : memref<8000x3000xf32, #tpu.memory_space<hbm>> -> memref<8000x3000xf32, #tpu.memory_space<hbm>>
    tpu.enqueue_indirect_dma source(%dma_start3A_328 : memref<8000x3000xf32, #tpu.memory_space<hbm>>) target(%arg9 : memref<16x3000xf32, #tpu.memory_space<vmem>>) offsets(%arg7 : memref<16xi32, #tpu.memory_space<vmem>>) semaphore(%arg11 : memref<!tpu.dma_semaphore, #tpu.memory_space<semaphore_mem>>)
    %dma_wait3A_329 = arith.constant 0 : i32
    %dma_wait3A_330 = arith.constant 0 : i32
    %dma_wait3A_331 = tpu.memref_slice %arg3[%dma_wait3A_329, %dma_wait3A_330] : memref<8000x3000xf32, #tpu.memory_space<hbm>> -> memref<8000x3000xf32, #tpu.memory_space<hbm>>
    tpu.wait_indirect_dma semaphore(%arg10 : memref<!tpu.dma_semaphore, #tpu.memory_space<semaphore_mem>>) src(%dma_wait3A_331 : memref<8000x3000xf32, #tpu.memory_space<hbm>>) dst(%arg8 : memref<16x3000xf32, #tpu.memory_space<vmem>>)
    %add3A_332 = arith.constant 12 : i32
    %add3A_333 = arith.addi %mul3A_2, %add3A_332 : i32
    %mul3A_334 = arith.constant 8 : i32
    %mul3A_335 = arith.muli %add3A_333, %mul3A_334 : i32
    %dma_start3A_336 = arith.constant 0 : i32
    %dma_start3A_337 = tpu.memref_slice %arg4[%mul3A_335, %dma_start3A_336] : memref<8192x3000xf32, #tpu.memory_space<hbm>> -> memref<16x3000xf32, #tpu.memory_space<hbm>>
    %dma_start3A_338 = arith.constant 0 : i32
    %dma_start3A_339 = tpu.memref_slice %arg4[%mul3A_335, %dma_start3A_338] : memref<8192x3000xf32, #tpu.memory_space<hbm>> -> memref<16x3000xf32, #tpu.memory_space<hbm>>
    tpu.enqueue_dma source(%arg8 : memref<16x3000xf32, #tpu.memory_space<vmem>>) target(%dma_start3A_339 : memref<16x3000xf32, #tpu.memory_space<hbm>>) target_semaphore(%arg12 : memref<!tpu.dma_semaphore, #tpu.memory_space<semaphore_mem>>)
    %get3A_340 = arith.constant 16 : index
    %get3A_341 = tpu.vector_load %arg5[%get3A_340] {strides = array<i32>} : memref<32xi32, #tpu.memory_space<vmem>>, vector<16xi32>,
    %get3A_342 = vector.shape_cast %get3A_341 : vector<16xi32> to vector<16xi32>
    %add3A_343 = arith.constant 0 : i32
    %add3A_344 = vector.broadcast %add3A_343 : i32 to vector<16xi32>
    %add3A_345 = arith.addi %add3A_344, %shift_right_arithmetic3A_6 : vector<16xi32>
    %lt3A_346 = arith.constant 0 : i32
    %lt3A_347 = vector.broadcast %lt3A_346 : i32 to vector<16xi32>
    %lt3A_348 = arith.cmpi slt, %add3A_345, %lt3A_347 : vector<16xi32>
    %add3A_349 = arith.constant 16 : i32
    %add3A_350 = vector.broadcast %add3A_349 : i32 to vector<16xi32>
    %add3A_351 = arith.addi %add3A_345, %add3A_350 : vector<16xi32>
    %select_n3A_352 = arith.select %lt3A_348, %add3A_351, %add3A_345 : vector<16xi1>, vector<16xi32>
    %broadcast_in_dim3A_353 = vector.shape_cast %select_n3A_352 : vector<16xi32> to vector<16x1xi32>
    %gather3A_354 = vector.shape_cast %broadcast_in_dim3A_353 : vector<16x1xi32> to vector<16xi32>
    %gather3A_355 = tpu.dynamic_gather %get3A_342[%gather3A_354] in [0] : vector<16xi32>, vector<16xi32> -> vector<16xi32>
    %mul3A_356 = arith.constant 8 : i32
    %mul3A_357 = vector.broadcast %mul3A_356 : i32 to vector<16xi32>
    %mul3A_358 = arith.muli %gather3A_355, %mul3A_357 : vector<16xi32>
    %add3A_359 = arith.addi %mul3A_358, %and3A_4 : vector<16xi32>
    %swap3A_360 = arith.constant 0 : index
    %swap3A_361 = tpu.vector_load %arg6[%swap3A_360] {strides = array<i32>} : memref<16xi32, #tpu.memory_space<vmem>>, vector<16xi32>,
    %swap3A_362 = vector.shape_cast %swap3A_361 : vector<16xi32> to vector<16xi32>
    %swap3A_363 = vector.shape_cast %add3A_359 : vector<16xi32> to vector<16xi32>
    tpu.vector_store %arg6[%swap3A_360], %swap3A_363 {strides = array<i32>} : memref<16xi32, #tpu.memory_space<vmem>>, vector<16xi32>,
    %add3A_364 = arith.constant 12 : i32
    %add3A_365 = arith.addi %mul3A_2, %add3A_364 : i32
    %mul3A_366 = arith.constant 8 : i32
    %mul3A_367 = arith.muli %add3A_365, %mul3A_366 : i32
    %dma_wait3A_368 = arith.constant 0 : i32
    %dma_wait3A_369 = tpu.memref_slice %arg4[%mul3A_367, %dma_wait3A_368] : memref<8192x3000xf32, #tpu.memory_space<hbm>> -> memref<16x3000xf32, #tpu.memory_space<hbm>>
    %dma_wait3A_370 = arith.constant 0 : i32
    %dma_wait3A_371 = tpu.memref_slice %arg4[%mul3A_367, %dma_wait3A_370] : memref<8192x3000xf32, #tpu.memory_space<hbm>> -> memref<16x3000xf32, #tpu.memory_space<hbm>>
    tpu.wait_dma2 semaphore(%arg12 : memref<!tpu.dma_semaphore, #tpu.memory_space<semaphore_mem>>) src(%arg8 : memref<16x3000xf32, #tpu.memory_space<vmem>>) dst(%dma_wait3A_371 : memref<16x3000xf32, #tpu.memory_space<hbm>>)
    %dma_start3A_372 = arith.constant 0 : i32
    %dma_start3A_373 = arith.constant 0 : i32
    %dma_start3A_374 = tpu.memref_slice %arg3[%dma_start3A_372, %dma_start3A_373] : memref<8000x3000xf32, #tpu.memory_space<hbm>> -> memref<8000x3000xf32, #tpu.memory_space<hbm>>
    tpu.enqueue_indirect_dma source(%dma_start3A_374 : memref<8000x3000xf32, #tpu.memory_space<hbm>>) target(%arg8 : memref<16x3000xf32, #tpu.memory_space<vmem>>) offsets(%arg6 : memref<16xi32, #tpu.memory_space<vmem>>) semaphore(%arg10 : memref<!tpu.dma_semaphore, #tpu.memory_space<semaphore_mem>>)
    %dma_wait3A_375 = arith.constant 0 : i32
    %dma_wait3A_376 = arith.constant 0 : i32
    %dma_wait3A_377 = tpu.memref_slice %arg3[%dma_wait3A_375, %dma_wait3A_376] : memref<8000x3000xf32, #tpu.memory_space<hbm>> -> memref<8000x3000xf32, #tpu.memory_space<hbm>>
    tpu.wait_indirect_dma semaphore(%arg11 : memref<!tpu.dma_semaphore, #tpu.memory_space<semaphore_mem>>) src(%dma_wait3A_377 : memref<8000x3000xf32, #tpu.memory_space<hbm>>) dst(%arg9 : memref<16x3000xf32, #tpu.memory_space<vmem>>)
    %add3A_378 = arith.constant 14 : i32
    %add3A_379 = arith.addi %mul3A_2, %add3A_378 : i32
    %mul3A_380 = arith.constant 8 : i32
    %mul3A_381 = arith.muli %add3A_379, %mul3A_380 : i32
    %dma_start3A_382 = arith.constant 0 : i32
    %dma_start3A_383 = tpu.memref_slice %arg4[%mul3A_381, %dma_start3A_382] : memref<8192x3000xf32, #tpu.memory_space<hbm>> -> memref<16x3000xf32, #tpu.memory_space<hbm>>
    %dma_start3A_384 = arith.constant 0 : i32
    %dma_start3A_385 = tpu.memref_slice %arg4[%mul3A_381, %dma_start3A_384] : memref<8192x3000xf32, #tpu.memory_space<hbm>> -> memref<16x3000xf32, #tpu.memory_space<hbm>>
    tpu.enqueue_dma source(%arg9 : memref<16x3000xf32, #tpu.memory_space<vmem>>) target(%dma_start3A_385 : memref<16x3000xf32, #tpu.memory_space<hbm>>) target_semaphore(%arg13 : memref<!tpu.dma_semaphore, #tpu.memory_space<semaphore_mem>>)
    %get3A_386 = arith.constant 16 : index
    %get3A_387 = tpu.vector_load %arg5[%get3A_386] {strides = array<i32>} : memref<32xi32, #tpu.memory_space<vmem>>, vector<16xi32>,
    %get3A_388 = vector.shape_cast %get3A_387 : vector<16xi32> to vector<16xi32>
    %add3A_389 = arith.constant 2 : i32
    %add3A_390 = vector.broadcast %add3A_389 : i32 to vector<16xi32>
    %add3A_391 = arith.addi %add3A_390, %shift_right_arithmetic3A_6 : vector<16xi32>
    %lt3A_392 = arith.constant 0 : i32
    %lt3A_393 = vector.broadcast %lt3A_392 : i32 to vector<16xi32>
    %lt3A_394 = arith.cmpi slt, %add3A_391, %lt3A_393 : vector<16xi32>
    %add3A_395 = arith.constant 16 : i32
    %add3A_396 = vector.broadcast %add3A_395 : i32 to vector<16xi32>
    %add3A_397 = arith.addi %add3A_391, %add3A_396 : vector<16xi32>
    %select_n3A_398 = arith.select %lt3A_394, %add3A_397, %add3A_391 : vector<16xi1>, vector<16xi32>
    %broadcast_in_dim3A_399 = vector.shape_cast %select_n3A_398 : vector<16xi32> to vector<16x1xi32>
    %gather3A_400 = vector.shape_cast %broadcast_in_dim3A_399 : vector<16x1xi32> to vector<16xi32>
    %gather3A_401 = tpu.dynamic_gather %get3A_388[%gather3A_400] in [0] : vector<16xi32>, vector<16xi32> -> vector<16xi32>
    %mul3A_402 = arith.constant 8 : i32
    %mul3A_403 = vector.broadcast %mul3A_402 : i32 to vector<16xi32>
    %mul3A_404 = arith.muli %gather3A_401, %mul3A_403 : vector<16xi32>
    %add3A_405 = arith.addi %mul3A_404, %and3A_4 : vector<16xi32>
    %swap3A_406 = arith.constant 0 : index
    %swap3A_407 = tpu.vector_load %arg7[%swap3A_406] {strides = array<i32>} : memref<16xi32, #tpu.memory_space<vmem>>, vector<16xi32>,
    %swap3A_408 = vector.shape_cast %swap3A_407 : vector<16xi32> to vector<16xi32>
    %swap3A_409 = vector.shape_cast %add3A_405 : vector<16xi32> to vector<16xi32>
    tpu.vector_store %arg7[%swap3A_406], %swap3A_409 {strides = array<i32>} : memref<16xi32, #tpu.memory_space<vmem>>, vector<16xi32>,
    %add3A_410 = arith.constant 14 : i32
    %add3A_411 = arith.addi %mul3A_2, %add3A_410 : i32
    %mul3A_412 = arith.constant 8 : i32
    %mul3A_413 = arith.muli %add3A_411, %mul3A_412 : i32
    %dma_wait3A_414 = arith.constant 0 : i32
    %dma_wait3A_415 = tpu.memref_slice %arg4[%mul3A_413, %dma_wait3A_414] : memref<8192x3000xf32, #tpu.memory_space<hbm>> -> memref<16x3000xf32, #tpu.memory_space<hbm>>
    %dma_wait3A_416 = arith.constant 0 : i32
    %dma_wait3A_417 = tpu.memref_slice %arg4[%mul3A_413, %dma_wait3A_416] : memref<8192x3000xf32, #tpu.memory_space<hbm>> -> memref<16x3000xf32, #tpu.memory_space<hbm>>
    tpu.wait_dma2 semaphore(%arg13 : memref<!tpu.dma_semaphore, #tpu.memory_space<semaphore_mem>>) src(%arg9 : memref<16x3000xf32, #tpu.memory_space<vmem>>) dst(%dma_wait3A_417 : memref<16x3000xf32, #tpu.memory_space<hbm>>)
    %dma_start3A_418 = arith.constant 0 : i32
    %dma_start3A_419 = arith.constant 0 : i32
    %dma_start3A_420 = tpu.memref_slice %arg3[%dma_start3A_418, %dma_start3A_419] : memref<8000x3000xf32, #tpu.memory_space<hbm>> -> memref<8000x3000xf32, #tpu.memory_space<hbm>>
    tpu.enqueue_indirect_dma source(%dma_start3A_420 : memref<8000x3000xf32, #tpu.memory_space<hbm>>) target(%arg9 : memref<16x3000xf32, #tpu.memory_space<vmem>>) offsets(%arg7 : memref<16xi32, #tpu.memory_space<vmem>>) semaphore(%arg11 : memref<!tpu.dma_semaphore, #tpu.memory_space<semaphore_mem>>)
    %dma_wait3A_421 = arith.constant 0 : i32
    %dma_wait3A_422 = arith.constant 0 : i32
    %dma_wait3A_423 = tpu.memref_slice %arg3[%dma_wait3A_421, %dma_wait3A_422] : memref<8000x3000xf32, #tpu.memory_space<hbm>> -> memref<8000x3000xf32, #tpu.memory_space<hbm>>
    tpu.wait_indirect_dma semaphore(%arg10 : memref<!tpu.dma_semaphore, #tpu.memory_space<semaphore_mem>>) src(%dma_wait3A_423 : memref<8000x3000xf32, #tpu.memory_space<hbm>>) dst(%arg8 : memref<16x3000xf32, #tpu.memory_space<vmem>>)
    %add3A_424 = arith.constant 16 : i32
    %add3A_425 = arith.addi %mul3A_2, %add3A_424 : i32
    %mul3A_426 = arith.constant 8 : i32
    %mul3A_427 = arith.muli %add3A_425, %mul3A_426 : i32
    %dma_start3A_428 = arith.constant 0 : i32
    %dma_start3A_429 = tpu.memref_slice %arg4[%mul3A_427, %dma_start3A_428] : memref<8192x3000xf32, #tpu.memory_space<hbm>> -> memref<16x3000xf32, #tpu.memory_space<hbm>>
    %dma_start3A_430 = arith.constant 0 : i32
    %dma_start3A_431 = tpu.memref_slice %arg4[%mul3A_427, %dma_start3A_430] : memref<8192x3000xf32, #tpu.memory_space<hbm>> -> memref<16x3000xf32, #tpu.memory_space<hbm>>
    tpu.enqueue_dma source(%arg8 : memref<16x3000xf32, #tpu.memory_space<vmem>>) target(%dma_start3A_431 : memref<16x3000xf32, #tpu.memory_space<hbm>>) target_semaphore(%arg12 : memref<!tpu.dma_semaphore, #tpu.memory_space<semaphore_mem>>)
    %get3A_432 = arith.constant 16 : index
    %get3A_433 = tpu.vector_load %arg5[%get3A_432] {strides = array<i32>} : memref<32xi32, #tpu.memory_space<vmem>>, vector<16xi32>,
    %get3A_434 = vector.shape_cast %get3A_433 : vector<16xi32> to vector<16xi32>
    %add3A_435 = arith.constant 4 : i32
    %add3A_436 = vector.broadcast %add3A_435 : i32 to vector<16xi32>
    %add3A_437 = arith.addi %add3A_436, %shift_right_arithmetic3A_6 : vector<16xi32>
    %lt3A_438 = arith.constant 0 : i32
    %lt3A_439 = vector.broadcast %lt3A_438 : i32 to vector<16xi32>
    %lt3A_440 = arith.cmpi slt, %add3A_437, %lt3A_439 : vector<16xi32>
    %add3A_441 = arith.constant 16 : i32
    %add3A_442 = vector.broadcast %add3A_441 : i32 to vector<16xi32>
    %add3A_443 = arith.addi %add3A_437, %add3A_442 : vector<16xi32>
    %select_n3A_444 = arith.select %lt3A_440, %add3A_443, %add3A_437 : vector<16xi1>, vector<16xi32>
    %broadcast_in_dim3A_445 = vector.shape_cast %select_n3A_444 : vector<16xi32> to vector<16x1xi32>
    %gather3A_446 = vector.shape_cast %broadcast_in_dim3A_445 : vector<16x1xi32> to vector<16xi32>
    %gather3A_447 = tpu.dynamic_gather %get3A_434[%gather3A_446] in [0] : vector<16xi32>, vector<16xi32> -> vector<16xi32>
    %mul3A_448 = arith.constant 8 : i32
    %mul3A_449 = vector.broadcast %mul3A_448 : i32 to vector<16xi32>
    %mul3A_450 = arith.muli %gather3A_447, %mul3A_449 : vector<16xi32>
    %add3A_451 = arith.addi %mul3A_450, %and3A_4 : vector<16xi32>
    %swap3A_452 = arith.constant 0 : index
    %swap3A_453 = tpu.vector_load %arg6[%swap3A_452] {strides = array<i32>} : memref<16xi32, #tpu.memory_space<vmem>>, vector<16xi32>,
    %swap3A_454 = vector.shape_cast %swap3A_453 : vector<16xi32> to vector<16xi32>
    %swap3A_455 = vector.shape_cast %add3A_451 : vector<16xi32> to vector<16xi32>
    tpu.vector_store %arg6[%swap3A_452], %swap3A_455 {strides = array<i32>} : memref<16xi32, #tpu.memory_space<vmem>>, vector<16xi32>,
    %add3A_456 = arith.constant 16 : i32
    %add3A_457 = arith.addi %mul3A_2, %add3A_456 : i32
    %mul3A_458 = arith.constant 8 : i32
    %mul3A_459 = arith.muli %add3A_457, %mul3A_458 : i32
    %dma_wait3A_460 = arith.constant 0 : i32
    %dma_wait3A_461 = tpu.memref_slice %arg4[%mul3A_459, %dma_wait3A_460] : memref<8192x3000xf32, #tpu.memory_space<hbm>> -> memref<16x3000xf32, #tpu.memory_space<hbm>>
    %dma_wait3A_462 = arith.constant 0 : i32
    %dma_wait3A_463 = tpu.memref_slice %arg4[%mul3A_459, %dma_wait3A_462] : memref<8192x3000xf32, #tpu.memory_space<hbm>> -> memref<16x3000xf32, #tpu.memory_space<hbm>>
    tpu.wait_dma2 semaphore(%arg12 : memref<!tpu.dma_semaphore, #tpu.memory_space<semaphore_mem>>) src(%arg8 : memref<16x3000xf32, #tpu.memory_space<vmem>>) dst(%dma_wait3A_463 : memref<16x3000xf32, #tpu.memory_space<hbm>>)
    %dma_start3A_464 = arith.constant 0 : i32
    %dma_start3A_465 = arith.constant 0 : i32
    %dma_start3A_466 = tpu.memref_slice %arg3[%dma_start3A_464, %dma_start3A_465] : memref<8000x3000xf32, #tpu.memory_space<hbm>> -> memref<8000x3000xf32, #tpu.memory_space<hbm>>
    tpu.enqueue_indirect_dma source(%dma_start3A_466 : memref<8000x3000xf32, #tpu.memory_space<hbm>>) target(%arg8 : memref<16x3000xf32, #tpu.memory_space<vmem>>) offsets(%arg6 : memref<16xi32, #tpu.memory_space<vmem>>) semaphore(%arg10 : memref<!tpu.dma_semaphore, #tpu.memory_space<semaphore_mem>>)
    %dma_wait3A_467 = arith.constant 0 : i32
    %dma_wait3A_468 = arith.constant 0 : i32
    %dma_wait3A_469 = tpu.memref_slice %arg3[%dma_wait3A_467, %dma_wait3A_468] : memref<8000x3000xf32, #tpu.memory_space<hbm>> -> memref<8000x3000xf32, #tpu.memory_space<hbm>>
    tpu.wait_indirect_dma semaphore(%arg11 : memref<!tpu.dma_semaphore, #tpu.memory_space<semaphore_mem>>) src(%dma_wait3A_469 : memref<8000x3000xf32, #tpu.memory_space<hbm>>) dst(%arg9 : memref<16x3000xf32, #tpu.memory_space<vmem>>)
    %add3A_470 = arith.constant 18 : i32
    %add3A_471 = arith.addi %mul3A_2, %add3A_470 : i32
    %mul3A_472 = arith.constant 8 : i32
    %mul3A_473 = arith.muli %add3A_471, %mul3A_472 : i32
    %dma_start3A_474 = arith.constant 0 : i32
    %dma_start3A_475 = tpu.memref_slice %arg4[%mul3A_473, %dma_start3A_474] : memref<8192x3000xf32, #tpu.memory_space<hbm>> -> memref<16x3000xf32, #tpu.memory_space<hbm>>
    %dma_start3A_476 = arith.constant 0 : i32
    %dma_start3A_477 = tpu.memref_slice %arg4[%mul3A_473, %dma_start3A_476] : memref<8192x3000xf32, #tpu.memory_space<hbm>> -> memref<16x3000xf32, #tpu.memory_space<hbm>>
    tpu.enqueue_dma source(%arg9 : memref<16x3000xf32, #tpu.memory_space<vmem>>) target(%dma_start3A_477 : memref<16x3000xf32, #tpu.memory_space<hbm>>) target_semaphore(%arg13 : memref<!tpu.dma_semaphore, #tpu.memory_space<semaphore_mem>>)
    %get3A_478 = arith.constant 16 : index
    %get3A_479 = tpu.vector_load %arg5[%get3A_478] {strides = array<i32>} : memref<32xi32, #tpu.memory_space<vmem>>, vector<16xi32>,
    %get3A_480 = vector.shape_cast %get3A_479 : vector<16xi32> to vector<16xi32>
    %add3A_481 = arith.constant 6 : i32
    %add3A_482 = vector.broadcast %add3A_481 : i32 to vector<16xi32>
    %add3A_483 = arith.addi %add3A_482, %shift_right_arithmetic3A_6 : vector<16xi32>
    %lt3A_484 = arith.constant 0 : i32
    %lt3A_485 = vector.broadcast %lt3A_484 : i32 to vector<16xi32>
    %lt3A_486 = arith.cmpi slt, %add3A_483, %lt3A_485 : vector<16xi32>
    %add3A_487 = arith.constant 16 : i32
    %add3A_488 = vector.broadcast %add3A_487 : i32 to vector<16xi32>
    %add3A_489 = arith.addi %add3A_483, %add3A_488 : vector<16xi32>
    %select_n3A_490 = arith.select %lt3A_486, %add3A_489, %add3A_483 : vector<16xi1>, vector<16xi32>
    %broadcast_in_dim3A_491 = vector.shape_cast %select_n3A_490 : vector<16xi32> to vector<16x1xi32>
    %gather3A_492 = vector.shape_cast %broadcast_in_dim3A_491 : vector<16x1xi32> to vector<16xi32>
    %gather3A_493 = tpu.dynamic_gather %get3A_480[%gather3A_492] in [0] : vector<16xi32>, vector<16xi32> -> vector<16xi32>
    %mul3A_494 = arith.constant 8 : i32
    %mul3A_495 = vector.broadcast %mul3A_494 : i32 to vector<16xi32>
    %mul3A_496 = arith.muli %gather3A_493, %mul3A_495 : vector<16xi32>
    %add3A_497 = arith.addi %mul3A_496, %and3A_4 : vector<16xi32>
    %swap3A_498 = arith.constant 0 : index
    %swap3A_499 = tpu.vector_load %arg7[%swap3A_498] {strides = array<i32>} : memref<16xi32, #tpu.memory_space<vmem>>, vector<16xi32>,
    %swap3A_500 = vector.shape_cast %swap3A_499 : vector<16xi32> to vector<16xi32>
    %swap3A_501 = vector.shape_cast %add3A_497 : vector<16xi32> to vector<16xi32>
    tpu.vector_store %arg7[%swap3A_498], %swap3A_501 {strides = array<i32>} : memref<16xi32, #tpu.memory_space<vmem>>, vector<16xi32>,
    %add3A_502 = arith.constant 18 : i32
    %add3A_503 = arith.addi %mul3A_2, %add3A_502 : i32
    %mul3A_504 = arith.constant 8 : i32
    %mul3A_505 = arith.muli %add3A_503, %mul3A_504 : i32
    %dma_wait3A_506 = arith.constant 0 : i32
    %dma_wait3A_507 = tpu.memref_slice %arg4[%mul3A_505, %dma_wait3A_506] : memref<8192x3000xf32, #tpu.memory_space<hbm>> -> memref<16x3000xf32, #tpu.memory_space<hbm>>
    %dma_wait3A_508 = arith.constant 0 : i32
    %dma_wait3A_509 = tpu.memref_slice %arg4[%mul3A_505, %dma_wait3A_508] : memref<8192x3000xf32, #tpu.memory_space<hbm>> -> memref<16x3000xf32, #tpu.memory_space<hbm>>
    tpu.wait_dma2 semaphore(%arg13 : memref<!tpu.dma_semaphore, #tpu.memory_space<semaphore_mem>>) src(%arg9 : memref<16x3000xf32, #tpu.memory_space<vmem>>) dst(%dma_wait3A_509 : memref<16x3000xf32, #tpu.memory_space<hbm>>)
    %dma_start3A_510 = arith.constant 0 : i32
    %dma_start3A_511 = arith.constant 0 : i32
    %dma_start3A_512 = tpu.memref_slice %arg3[%dma_start3A_510, %dma_start3A_511] : memref<8000x3000xf32, #tpu.memory_space<hbm>> -> memref<8000x3000xf32, #tpu.memory_space<hbm>>
    tpu.enqueue_indirect_dma source(%dma_start3A_512 : memref<8000x3000xf32, #tpu.memory_space<hbm>>) target(%arg9 : memref<16x3000xf32, #tpu.memory_space<vmem>>) offsets(%arg7 : memref<16xi32, #tpu.memory_space<vmem>>) semaphore(%arg11 : memref<!tpu.dma_semaphore, #tpu.memory_space<semaphore_mem>>)
    %dma_wait3A_513 = arith.constant 0 : i32
    %dma_wait3A_514 = arith.constant 0 : i32
    %dma_wait3A_515 = tpu.memref_slice %arg3[%dma_wait3A_513, %dma_wait3A_514] : memref<8000x3000xf32, #tpu.memory_space<hbm>> -> memref<8000x3000xf32, #tpu.memory_space<hbm>>
    tpu.wait_indirect_dma semaphore(%arg10 : memref<!tpu.dma_semaphore, #tpu.memory_space<semaphore_mem>>) src(%dma_wait3A_515 : memref<8000x3000xf32, #tpu.memory_space<hbm>>) dst(%arg8 : memref<16x3000xf32, #tpu.memory_space<vmem>>)
    %add3A_516 = arith.constant 20 : i32
    %add3A_517 = arith.addi %mul3A_2, %add3A_516 : i32
    %mul3A_518 = arith.constant 8 : i32
    %mul3A_519 = arith.muli %add3A_517, %mul3A_518 : i32
    %dma_start3A_520 = arith.constant 0 : i32
    %dma_start3A_521 = tpu.memref_slice %arg4[%mul3A_519, %dma_start3A_520] : memref<8192x3000xf32, #tpu.memory_space<hbm>> -> memref<16x3000xf32, #tpu.memory_space<hbm>>
    %dma_start3A_522 = arith.constant 0 : i32
    %dma_start3A_523 = tpu.memref_slice %arg4[%mul3A_519, %dma_start3A_522] : memref<8192x3000xf32, #tpu.memory_space<hbm>> -> memref<16x3000xf32, #tpu.memory_space<hbm>>
    tpu.enqueue_dma source(%arg8 : memref<16x3000xf32, #tpu.memory_space<vmem>>) target(%dma_start3A_523 : memref<16x3000xf32, #tpu.memory_space<hbm>>) target_semaphore(%arg12 : memref<!tpu.dma_semaphore, #tpu.memory_space<semaphore_mem>>)
    %get3A_524 = arith.constant 16 : index
    %get3A_525 = tpu.vector_load %arg5[%get3A_524] {strides = array<i32>} : memref<32xi32, #tpu.memory_space<vmem>>, vector<16xi32>,
    %get3A_526 = vector.shape_cast %get3A_525 : vector<16xi32> to vector<16xi32>
    %add3A_527 = arith.constant 8 : i32
    %add3A_528 = vector.broadcast %add3A_527 : i32 to vector<16xi32>
    %add3A_529 = arith.addi %add3A_528, %shift_right_arithmetic3A_6 : vector<16xi32>
    %lt3A_530 = arith.constant 0 : i32
    %lt3A_531 = vector.broadcast %lt3A_530 : i32 to vector<16xi32>
    %lt3A_532 = arith.cmpi slt, %add3A_529, %lt3A_531 : vector<16xi32>
    %add3A_533 = arith.constant 16 : i32
    %add3A_534 = vector.broadcast %add3A_533 : i32 to vector<16xi32>
    %add3A_535 = arith.addi %add3A_529, %add3A_534 : vector<16xi32>
    %select_n3A_536 = arith.select %lt3A_532, %add3A_535, %add3A_529 : vector<16xi1>, vector<16xi32>
    %broadcast_in_dim3A_537 = vector.shape_cast %select_n3A_536 : vector<16xi32> to vector<16x1xi32>
    %gather3A_538 = vector.shape_cast %broadcast_in_dim3A_537 : vector<16x1xi32> to vector<16xi32>
    %gather3A_539 = tpu.dynamic_gather %get3A_526[%gather3A_538] in [0] : vector<16xi32>, vector<16xi32> -> vector<16xi32>
    %mul3A_540 = arith.constant 8 : i32
    %mul3A_541 = vector.broadcast %mul3A_540 : i32 to vector<16xi32>
    %mul3A_542 = arith.muli %gather3A_539, %mul3A_541 : vector<16xi32>
    %add3A_543 = arith.addi %mul3A_542, %and3A_4 : vector<16xi32>
    %swap3A_544 = arith.constant 0 : index
    %swap3A_545 = tpu.vector_load %arg6[%swap3A_544] {strides = array<i32>} : memref<16xi32, #tpu.memory_space<vmem>>, vector<16xi32>,
    %swap3A_546 = vector.shape_cast %swap3A_545 : vector<16xi32> to vector<16xi32>
    %swap3A_547 = vector.shape_cast %add3A_543 : vector<16xi32> to vector<16xi32>
    tpu.vector_store %arg6[%swap3A_544], %swap3A_547 {strides = array<i32>} : memref<16xi32, #tpu.memory_space<vmem>>, vector<16xi32>,
    %add3A_548 = arith.constant 20 : i32
    %add3A_549 = arith.addi %mul3A_2, %add3A_548 : i32
    %mul3A_550 = arith.constant 8 : i32
    %mul3A_551 = arith.muli %add3A_549, %mul3A_550 : i32
    %dma_wait3A_552 = arith.constant 0 : i32
    %dma_wait3A_553 = tpu.memref_slice %arg4[%mul3A_551, %dma_wait3A_552] : memref<8192x3000xf32, #tpu.memory_space<hbm>> -> memref<16x3000xf32, #tpu.memory_space<hbm>>
    %dma_wait3A_554 = arith.constant 0 : i32
    %dma_wait3A_555 = tpu.memref_slice %arg4[%mul3A_551, %dma_wait3A_554] : memref<8192x3000xf32, #tpu.memory_space<hbm>> -> memref<16x3000xf32, #tpu.memory_space<hbm>>
    tpu.wait_dma2 semaphore(%arg12 : memref<!tpu.dma_semaphore, #tpu.memory_space<semaphore_mem>>) src(%arg8 : memref<16x3000xf32, #tpu.memory_space<vmem>>) dst(%dma_wait3A_555 : memref<16x3000xf32, #tpu.memory_space<hbm>>)
    %dma_start3A_556 = arith.constant 0 : i32
    %dma_start3A_557 = arith.constant 0 : i32
    %dma_start3A_558 = tpu.memref_slice %arg3[%dma_start3A_556, %dma_start3A_557] : memref<8000x3000xf32, #tpu.memory_space<hbm>> -> memref<8000x3000xf32, #tpu.memory_space<hbm>>
    tpu.enqueue_indirect_dma source(%dma_start3A_558 : memref<8000x3000xf32, #tpu.memory_space<hbm>>) target(%arg8 : memref<16x3000xf32, #tpu.memory_space<vmem>>) offsets(%arg6 : memref<16xi32, #tpu.memory_space<vmem>>) semaphore(%arg10 : memref<!tpu.dma_semaphore, #tpu.memory_space<semaphore_mem>>)
    %dma_wait3A_559 = arith.constant 0 : i32
    %dma_wait3A_560 = arith.constant 0 : i32
    %dma_wait3A_561 = tpu.memref_slice %arg3[%dma_wait3A_559, %dma_wait3A_560] : memref<8000x3000xf32, #tpu.memory_space<hbm>> -> memref<8000x3000xf32, #tpu.memory_space<hbm>>
    tpu.wait_indirect_dma semaphore(%arg11 : memref<!tpu.dma_semaphore, #tpu.memory_space<semaphore_mem>>) src(%dma_wait3A_561 : memref<8000x3000xf32, #tpu.memory_space<hbm>>) dst(%arg9 : memref<16x3000xf32, #tpu.memory_space<vmem>>)
    %add3A_562 = arith.constant 22 : i32
    %add3A_563 = arith.addi %mul3A_2, %add3A_562 : i32
    %mul3A_564 = arith.constant 8 : i32
    %mul3A_565 = arith.muli %add3A_563, %mul3A_564 : i32
    %dma_start3A_566 = arith.constant 0 : i32
    %dma_start3A_567 = tpu.memref_slice %arg4[%mul3A_565, %dma_start3A_566] : memref<8192x3000xf32, #tpu.memory_space<hbm>> -> memref<16x3000xf32, #tpu.memory_space<hbm>>
    %dma_start3A_568 = arith.constant 0 : i32
    %dma_start3A_569 = tpu.memref_slice %arg4[%mul3A_565, %dma_start3A_568] : memref<8192x3000xf32, #tpu.memory_space<hbm>> -> memref<16x3000xf32, #tpu.memory_space<hbm>>
    tpu.enqueue_dma source(%arg9 : memref<16x3000xf32, #tpu.memory_space<vmem>>) target(%dma_start3A_569 : memref<16x3000xf32, #tpu.memory_space<hbm>>) target_semaphore(%arg13 : memref<!tpu.dma_semaphore, #tpu.memory_space<semaphore_mem>>)
    %get3A_570 = arith.constant 16 : index
    %get3A_571 = tpu.vector_load %arg5[%get3A_570] {strides = array<i32>} : memref<32xi32, #tpu.memory_space<vmem>>, vector<16xi32>,
    %get3A_572 = vector.shape_cast %get3A_571 : vector<16xi32> to vector<16xi32>
    %add3A_573 = arith.constant 10 : i32
    %add3A_574 = vector.broadcast %add3A_573 : i32 to vector<16xi32>
    %add3A_575 = arith.addi %add3A_574, %shift_right_arithmetic3A_6 : vector<16xi32>
    %lt3A_576 = arith.constant 0 : i32
    %lt3A_577 = vector.broadcast %lt3A_576 : i32 to vector<16xi32>
    %lt3A_578 = arith.cmpi slt, %add3A_575, %lt3A_577 : vector<16xi32>
    %add3A_579 = arith.constant 16 : i32
    %add3A_580 = vector.broadcast %add3A_579 : i32 to vector<16xi32>
    %add3A_581 = arith.addi %add3A_575, %add3A_580 : vector<16xi32>
    %select_n3A_582 = arith.select %lt3A_578, %add3A_581, %add3A_575 : vector<16xi1>, vector<16xi32>
    %broadcast_in_dim3A_583 = vector.shape_cast %select_n3A_582 : vector<16xi32> to vector<16x1xi32>
    %gather3A_584 = vector.shape_cast %broadcast_in_dim3A_583 : vector<16x1xi32> to vector<16xi32>
    %gather3A_585 = tpu.dynamic_gather %get3A_572[%gather3A_584] in [0] : vector<16xi32>, vector<16xi32> -> vector<16xi32>
    %mul3A_586 = arith.constant 8 : i32
    %mul3A_587 = vector.broadcast %mul3A_586 : i32 to vector<16xi32>
    %mul3A_588 = arith.muli %gather3A_585, %mul3A_587 : vector<16xi32>
    %add3A_589 = arith.addi %mul3A_588, %and3A_4 : vector<16xi32>
    %swap3A_590 = arith.constant 0 : index
    %swap3A_591 = tpu.vector_load %arg7[%swap3A_590] {strides = array<i32>} : memref<16xi32, #tpu.memory_space<vmem>>, vector<16xi32>,
    %swap3A_592 = vector.shape_cast %swap3A_591 : vector<16xi32> to vector<16xi32>
    %swap3A_593 = vector.shape_cast %add3A_589 : vector<16xi32> to vector<16xi32>
    tpu.vector_store %arg7[%swap3A_590], %swap3A_593 {strides = array<i32>} : memref<16xi32, #tpu.memory_space<vmem>>, vector<16xi32>,
    %add3A_594 = arith.constant 22 : i32
    %add3A_595 = arith.addi %mul3A_2, %add3A_594 : i32
    %mul3A_596 = arith.constant 8 : i32
    %mul3A_597 = arith.muli %add3A_595, %mul3A_596 : i32
    %dma_wait3A_598 = arith.constant 0 : i32
    %dma_wait3A_599 = tpu.memref_slice %arg4[%mul3A_597, %dma_wait3A_598] : memref<8192x3000xf32, #tpu.memory_space<hbm>> -> memref<16x3000xf32, #tpu.memory_space<hbm>>
    %dma_wait3A_600 = arith.constant 0 : i32
    %dma_wait3A_601 = tpu.memref_slice %arg4[%mul3A_597, %dma_wait3A_600] : memref<8192x3000xf32, #tpu.memory_space<hbm>> -> memref<16x3000xf32, #tpu.memory_space<hbm>>
    tpu.wait_dma2 semaphore(%arg13 : memref<!tpu.dma_semaphore, #tpu.memory_space<semaphore_mem>>) src(%arg9 : memref<16x3000xf32, #tpu.memory_space<vmem>>) dst(%dma_wait3A_601 : memref<16x3000xf32, #tpu.memory_space<hbm>>)
    %dma_start3A_602 = arith.constant 0 : i32
    %dma_start3A_603 = arith.constant 0 : i32
    %dma_start3A_604 = tpu.memref_slice %arg3[%dma_start3A_602, %dma_start3A_603] : memref<8000x3000xf32, #tpu.memory_space<hbm>> -> memref<8000x3000xf32, #tpu.memory_space<hbm>>
    tpu.enqueue_indirect_dma source(%dma_start3A_604 : memref<8000x3000xf32, #tpu.memory_space<hbm>>) target(%arg9 : memref<16x3000xf32, #tpu.memory_space<vmem>>) offsets(%arg7 : memref<16xi32, #tpu.memory_space<vmem>>) semaphore(%arg11 : memref<!tpu.dma_semaphore, #tpu.memory_space<semaphore_mem>>)
    %dma_wait3A_605 = arith.constant 0 : i32
    %dma_wait3A_606 = arith.constant 0 : i32
    %dma_wait3A_607 = tpu.memref_slice %arg3[%dma_wait3A_605, %dma_wait3A_606] : memref<8000x3000xf32, #tpu.memory_space<hbm>> -> memref<8000x3000xf32, #tpu.memory_space<hbm>>
    tpu.wait_indirect_dma semaphore(%arg10 : memref<!tpu.dma_semaphore, #tpu.memory_space<semaphore_mem>>) src(%dma_wait3A_607 : memref<8000x3000xf32, #tpu.memory_space<hbm>>) dst(%arg8 : memref<16x3000xf32, #tpu.memory_space<vmem>>)
    %add3A_608 = arith.constant 24 : i32
    %add3A_609 = arith.addi %mul3A_2, %add3A_608 : i32
    %mul3A_610 = arith.constant 8 : i32
    %mul3A_611 = arith.muli %add3A_609, %mul3A_610 : i32
    %dma_start3A_612 = arith.constant 0 : i32
    %dma_start3A_613 = tpu.memref_slice %arg4[%mul3A_611, %dma_start3A_612] : memref<8192x3000xf32, #tpu.memory_space<hbm>> -> memref<16x3000xf32, #tpu.memory_space<hbm>>
    %dma_start3A_614 = arith.constant 0 : i32
    %dma_start3A_615 = tpu.memref_slice %arg4[%mul3A_611, %dma_start3A_614] : memref<8192x3000xf32, #tpu.memory_space<hbm>> -> memref<16x3000xf32, #tpu.memory_space<hbm>>
    tpu.enqueue_dma source(%arg8 : memref<16x3000xf32, #tpu.memory_space<vmem>>) target(%dma_start3A_615 : memref<16x3000xf32, #tpu.memory_space<hbm>>) target_semaphore(%arg12 : memref<!tpu.dma_semaphore, #tpu.memory_space<semaphore_mem>>)
    %get3A_616 = arith.constant 16 : index
    %get3A_617 = tpu.vector_load %arg5[%get3A_616] {strides = array<i32>} : memref<32xi32, #tpu.memory_space<vmem>>, vector<16xi32>,
    %get3A_618 = vector.shape_cast %get3A_617 : vector<16xi32> to vector<16xi32>
    %add3A_619 = arith.constant 12 : i32
    %add3A_620 = vector.broadcast %add3A_619 : i32 to vector<16xi32>
    %add3A_621 = arith.addi %add3A_620, %shift_right_arithmetic3A_6 : vector<16xi32>
    %lt3A_622 = arith.constant 0 : i32
    %lt3A_623 = vector.broadcast %lt3A_622 : i32 to vector<16xi32>
    %lt3A_624 = arith.cmpi slt, %add3A_621, %lt3A_623 : vector<16xi32>
    %add3A_625 = arith.constant 16 : i32
    %add3A_626 = vector.broadcast %add3A_625 : i32 to vector<16xi32>
    %add3A_627 = arith.addi %add3A_621, %add3A_626 : vector<16xi32>
    %select_n3A_628 = arith.select %lt3A_624, %add3A_627, %add3A_621 : vector<16xi1>, vector<16xi32>
    %broadcast_in_dim3A_629 = vector.shape_cast %select_n3A_628 : vector<16xi32> to vector<16x1xi32>
    %gather3A_630 = vector.shape_cast %broadcast_in_dim3A_629 : vector<16x1xi32> to vector<16xi32>
    %gather3A_631 = tpu.dynamic_gather %get3A_618[%gather3A_630] in [0] : vector<16xi32>, vector<16xi32> -> vector<16xi32>
    %mul3A_632 = arith.constant 8 : i32
    %mul3A_633 = vector.broadcast %mul3A_632 : i32 to vector<16xi32>
    %mul3A_634 = arith.muli %gather3A_631, %mul3A_633 : vector<16xi32>
    %add3A_635 = arith.addi %mul3A_634, %and3A_4 : vector<16xi32>
    %swap3A_636 = arith.constant 0 : index
    %swap3A_637 = tpu.vector_load %arg6[%swap3A_636] {strides = array<i32>} : memref<16xi32, #tpu.memory_space<vmem>>, vector<16xi32>,
    %swap3A_638 = vector.shape_cast %swap3A_637 : vector<16xi32> to vector<16xi32>
    %swap3A_639 = vector.shape_cast %add3A_635 : vector<16xi32> to vector<16xi32>
    tpu.vector_store %arg6[%swap3A_636], %swap3A_639 {strides = array<i32>} : memref<16xi32, #tpu.memory_space<vmem>>, vector<16xi32>,
    %add3A_640 = arith.constant 24 : i32
    %add3A_641 = arith.addi %mul3A_2, %add3A_640 : i32
    %mul3A_642 = arith.constant 8 : i32
    %mul3A_643 = arith.muli %add3A_641, %mul3A_642 : i32
    %dma_wait3A_644 = arith.constant 0 : i32
    %dma_wait3A_645 = tpu.memref_slice %arg4[%mul3A_643, %dma_wait3A_644] : memref<8192x3000xf32, #tpu.memory_space<hbm>> -> memref<16x3000xf32, #tpu.memory_space<hbm>>
    %dma_wait3A_646 = arith.constant 0 : i32
    %dma_wait3A_647 = tpu.memref_slice %arg4[%mul3A_643, %dma_wait3A_646] : memref<8192x3000xf32, #tpu.memory_space<hbm>> -> memref<16x3000xf32, #tpu.memory_space<hbm>>
    tpu.wait_dma2 semaphore(%arg12 : memref<!tpu.dma_semaphore, #tpu.memory_space<semaphore_mem>>) src(%arg8 : memref<16x3000xf32, #tpu.memory_space<vmem>>) dst(%dma_wait3A_647 : memref<16x3000xf32, #tpu.memory_space<hbm>>)
    %dma_start3A_648 = arith.constant 0 : i32
    %dma_start3A_649 = arith.constant 0 : i32
    %dma_start3A_650 = tpu.memref_slice %arg3[%dma_start3A_648, %dma_start3A_649] : memref<8000x3000xf32, #tpu.memory_space<hbm>> -> memref<8000x3000xf32, #tpu.memory_space<hbm>>
    tpu.enqueue_indirect_dma source(%dma_start3A_650 : memref<8000x3000xf32, #tpu.memory_space<hbm>>) target(%arg8 : memref<16x3000xf32, #tpu.memory_space<vmem>>) offsets(%arg6 : memref<16xi32, #tpu.memory_space<vmem>>) semaphore(%arg10 : memref<!tpu.dma_semaphore, #tpu.memory_space<semaphore_mem>>)
    %dma_wait3A_651 = arith.constant 0 : i32
    %dma_wait3A_652 = arith.constant 0 : i32
    %dma_wait3A_653 = tpu.memref_slice %arg3[%dma_wait3A_651, %dma_wait3A_652] : memref<8000x3000xf32, #tpu.memory_space<hbm>> -> memref<8000x3000xf32, #tpu.memory_space<hbm>>
    tpu.wait_indirect_dma semaphore(%arg11 : memref<!tpu.dma_semaphore, #tpu.memory_space<semaphore_mem>>) src(%dma_wait3A_653 : memref<8000x3000xf32, #tpu.memory_space<hbm>>) dst(%arg9 : memref<16x3000xf32, #tpu.memory_space<vmem>>)
    %add3A_654 = arith.constant 26 : i32
    %add3A_655 = arith.addi %mul3A_2, %add3A_654 : i32
    %mul3A_656 = arith.constant 8 : i32
    %mul3A_657 = arith.muli %add3A_655, %mul3A_656 : i32
    %dma_start3A_658 = arith.constant 0 : i32
    %dma_start3A_659 = tpu.memref_slice %arg4[%mul3A_657, %dma_start3A_658] : memref<8192x3000xf32, #tpu.memory_space<hbm>> -> memref<16x3000xf32, #tpu.memory_space<hbm>>
    %dma_start3A_660 = arith.constant 0 : i32
    %dma_start3A_661 = tpu.memref_slice %arg4[%mul3A_657, %dma_start3A_660] : memref<8192x3000xf32, #tpu.memory_space<hbm>> -> memref<16x3000xf32, #tpu.memory_space<hbm>>
    tpu.enqueue_dma source(%arg9 : memref<16x3000xf32, #tpu.memory_space<vmem>>) target(%dma_start3A_661 : memref<16x3000xf32, #tpu.memory_space<hbm>>) target_semaphore(%arg13 : memref<!tpu.dma_semaphore, #tpu.memory_space<semaphore_mem>>)
    %get3A_662 = arith.constant 16 : index
    %get3A_663 = tpu.vector_load %arg5[%get3A_662] {strides = array<i32>} : memref<32xi32, #tpu.memory_space<vmem>>, vector<16xi32>,
    %get3A_664 = vector.shape_cast %get3A_663 : vector<16xi32> to vector<16xi32>
    %add3A_665 = arith.constant 14 : i32
    %add3A_666 = vector.broadcast %add3A_665 : i32 to vector<16xi32>
    %add3A_667 = arith.addi %add3A_666, %shift_right_arithmetic3A_6 : vector<16xi32>
    %lt3A_668 = arith.constant 0 : i32
    %lt3A_669 = vector.broadcast %lt3A_668 : i32 to vector<16xi32>
    %lt3A_670 = arith.cmpi slt, %add3A_667, %lt3A_669 : vector<16xi32>
    %add3A_671 = arith.constant 16 : i32
    %add3A_672 = vector.broadcast %add3A_671 : i32 to vector<16xi32>
    %add3A_673 = arith.addi %add3A_667, %add3A_672 : vector<16xi32>
    %select_n3A_674 = arith.select %lt3A_670, %add3A_673, %add3A_667 : vector<16xi1>, vector<16xi32>
    %broadcast_in_dim3A_675 = vector.shape_cast %select_n3A_674 : vector<16xi32> to vector<16x1xi32>
    %gather3A_676 = vector.shape_cast %broadcast_in_dim3A_675 : vector<16x1xi32> to vector<16xi32>
    %gather3A_677 = tpu.dynamic_gather %get3A_664[%gather3A_676] in [0] : vector<16xi32>, vector<16xi32> -> vector<16xi32>
    %mul3A_678 = arith.constant 8 : i32
    %mul3A_679 = vector.broadcast %mul3A_678 : i32 to vector<16xi32>
    %mul3A_680 = arith.muli %gather3A_677, %mul3A_679 : vector<16xi32>
    %add3A_681 = arith.addi %mul3A_680, %and3A_4 : vector<16xi32>
    %swap3A_682 = arith.constant 0 : index
    %swap3A_683 = tpu.vector_load %arg7[%swap3A_682] {strides = array<i32>} : memref<16xi32, #tpu.memory_space<vmem>>, vector<16xi32>,
    %swap3A_684 = vector.shape_cast %swap3A_683 : vector<16xi32> to vector<16xi32>
    %swap3A_685 = vector.shape_cast %add3A_681 : vector<16xi32> to vector<16xi32>
    tpu.vector_store %arg7[%swap3A_682], %swap3A_685 {strides = array<i32>} : memref<16xi32, #tpu.memory_space<vmem>>, vector<16xi32>,
    %add3A_686 = arith.constant 26 : i32
    %add3A_687 = arith.addi %mul3A_2, %add3A_686 : i32
    %mul3A_688 = arith.constant 8 : i32
    %mul3A_689 = arith.muli %add3A_687, %mul3A_688 : i32
    %dma_wait3A_690 = arith.constant 0 : i32
    %dma_wait3A_691 = tpu.memref_slice %arg4[%mul3A_689, %dma_wait3A_690] : memref<8192x3000xf32, #tpu.memory_space<hbm>> -> memref<16x3000xf32, #tpu.memory_space<hbm>>
    %dma_wait3A_692 = arith.constant 0 : i32
    %dma_wait3A_693 = tpu.memref_slice %arg4[%mul3A_689, %dma_wait3A_692] : memref<8192x3000xf32, #tpu.memory_space<hbm>> -> memref<16x3000xf32, #tpu.memory_space<hbm>>
    tpu.wait_dma2 semaphore(%arg13 : memref<!tpu.dma_semaphore, #tpu.memory_space<semaphore_mem>>) src(%arg9 : memref<16x3000xf32, #tpu.memory_space<vmem>>) dst(%dma_wait3A_693 : memref<16x3000xf32, #tpu.memory_space<hbm>>)
    %dma_start3A_694 = arith.constant 0 : i32
    %dma_start3A_695 = arith.constant 0 : i32
    %dma_start3A_696 = tpu.memref_slice %arg3[%dma_start3A_694, %dma_start3A_695] : memref<8000x3000xf32, #tpu.memory_space<hbm>> -> memref<8000x3000xf32, #tpu.memory_space<hbm>>
    tpu.enqueue_indirect_dma source(%dma_start3A_696 : memref<8000x3000xf32, #tpu.memory_space<hbm>>) target(%arg9 : memref<16x3000xf32, #tpu.memory_space<vmem>>) offsets(%arg7 : memref<16xi32, #tpu.memory_space<vmem>>) semaphore(%arg11 : memref<!tpu.dma_semaphore, #tpu.memory_space<semaphore_mem>>)
    %dma_wait3A_697 = arith.constant 0 : i32
    %dma_wait3A_698 = arith.constant 0 : i32
    %dma_wait3A_699 = tpu.memref_slice %arg3[%dma_wait3A_697, %dma_wait3A_698] : memref<8000x3000xf32, #tpu.memory_space<hbm>> -> memref<8000x3000xf32, #tpu.memory_space<hbm>>
    tpu.wait_indirect_dma semaphore(%arg10 : memref<!tpu.dma_semaphore, #tpu.memory_space<semaphore_mem>>) src(%dma_wait3A_699 : memref<8000x3000xf32, #tpu.memory_space<hbm>>) dst(%arg8 : memref<16x3000xf32, #tpu.memory_space<vmem>>)
    %add3A_700 = arith.constant 28 : i32
    %add3A_701 = arith.addi %mul3A_2, %add3A_700 : i32
    %mul3A_702 = arith.constant 8 : i32
    %mul3A_703 = arith.muli %add3A_701, %mul3A_702 : i32
    %dma_start3A_704 = arith.constant 0 : i32
    %dma_start3A_705 = tpu.memref_slice %arg4[%mul3A_703, %dma_start3A_704] : memref<8192x3000xf32, #tpu.memory_space<hbm>> -> memref<16x3000xf32, #tpu.memory_space<hbm>>
    %dma_start3A_706 = arith.constant 0 : i32
    %dma_start3A_707 = tpu.memref_slice %arg4[%mul3A_703, %dma_start3A_706] : memref<8192x3000xf32, #tpu.memory_space<hbm>> -> memref<16x3000xf32, #tpu.memory_space<hbm>>
    tpu.enqueue_dma source(%arg8 : memref<16x3000xf32, #tpu.memory_space<vmem>>) target(%dma_start3A_707 : memref<16x3000xf32, #tpu.memory_space<hbm>>) target_semaphore(%arg12 : memref<!tpu.dma_semaphore, #tpu.memory_space<semaphore_mem>>)
    %dma_wait3A_708 = arith.constant 0 : i32
    %dma_wait3A_709 = arith.constant 0 : i32
    %dma_wait3A_710 = tpu.memref_slice %arg3[%dma_wait3A_708, %dma_wait3A_709] : memref<8000x3000xf32, #tpu.memory_space<hbm>> -> memref<8000x3000xf32, #tpu.memory_space<hbm>>
    tpu.wait_indirect_dma semaphore(%arg11 : memref<!tpu.dma_semaphore, #tpu.memory_space<semaphore_mem>>) src(%dma_wait3A_710 : memref<8000x3000xf32, #tpu.memory_space<hbm>>) dst(%arg9 : memref<16x3000xf32, #tpu.memory_space<vmem>>)
    %add3A_711 = arith.constant 30 : i32
    %add3A_712 = arith.addi %mul3A_2, %add3A_711 : i32
    %mul3A_713 = arith.constant 8 : i32
    %mul3A_714 = arith.muli %add3A_712, %mul3A_713 : i32
    %dma_start3A_715 = arith.constant 0 : i32
    %dma_start3A_716 = tpu.memref_slice %arg4[%mul3A_714, %dma_start3A_715] : memref<8192x3000xf32, #tpu.memory_space<hbm>> -> memref<16x3000xf32, #tpu.memory_space<hbm>>
    %dma_start3A_717 = arith.constant 0 : i32
    %dma_start3A_718 = tpu.memref_slice %arg4[%mul3A_714, %dma_start3A_717] : memref<8192x3000xf32, #tpu.memory_space<hbm>> -> memref<16x3000xf32, #tpu.memory_space<hbm>>
    tpu.enqueue_dma source(%arg9 : memref<16x3000xf32, #tpu.memory_space<vmem>>) target(%dma_start3A_718 : memref<16x3000xf32, #tpu.memory_space<hbm>>) target_semaphore(%arg13 : memref<!tpu.dma_semaphore, #tpu.memory_space<semaphore_mem>>)
    %add3A_719 = arith.constant 28 : i32
    %add3A_720 = arith.addi %mul3A_2, %add3A_719 : i32
    %mul3A_721 = arith.constant 8 : i32
    %mul3A_722 = arith.muli %add3A_720, %mul3A_721 : i32
    %dma_wait3A_723 = arith.constant 0 : i32
    %dma_wait3A_724 = tpu.memref_slice %arg4[%mul3A_722, %dma_wait3A_723] : memref<8192x3000xf32, #tpu.memory_space<hbm>> -> memref<16x3000xf32, #tpu.memory_space<hbm>>
    %dma_wait3A_725 = arith.constant 0 : i32
    %dma_wait3A_726 = tpu.memref_slice %arg4[%mul3A_722, %dma_wait3A_725] : memref<8192x3000xf32, #tpu.memory_space<hbm>> -> memref<16x3000xf32, #tpu.memory_space<hbm>>
    tpu.wait_dma2 semaphore(%arg12 : memref<!tpu.dma_semaphore, #tpu.memory_space<semaphore_mem>>) src(%arg8 : memref<16x3000xf32, #tpu.memory_space<vmem>>) dst(%dma_wait3A_726 : memref<16x3000xf32, #tpu.memory_space<hbm>>)
    %add3A_727 = arith.constant 30 : i32
    %add3A_728 = arith.addi %mul3A_2, %add3A_727 : i32
    %mul3A_729 = arith.constant 8 : i32
    %mul3A_730 = arith.muli %add3A_728, %mul3A_729 : i32
    %dma_wait3A_731 = arith.constant 0 : i32
    %dma_wait3A_732 = tpu.memref_slice %arg4[%mul3A_730, %dma_wait3A_731] : memref<8192x3000xf32, #tpu.memory_space<hbm>> -> memref<16x3000xf32, #tpu.memory_space<hbm>>
    %dma_wait3A_733 = arith.constant 0 : i32
    %dma_wait3A_734 = tpu.memref_slice %arg4[%mul3A_730, %dma_wait3A_733] : memref<8192x3000xf32, #tpu.memory_space<hbm>> -> memref<16x3000xf32, #tpu.memory_space<hbm>>
    tpu.wait_dma2 semaphore(%arg13 : memref<!tpu.dma_semaphore, #tpu.memory_space<semaphore_mem>>) src(%arg9 : memref<16x3000xf32, #tpu.memory_space<vmem>>) dst(%dma_wait3A_734 : memref<16x3000xf32, #tpu.memory_space<hbm>>)
    return
  }
}

</mosaic_0001>

<sc_bundles>
// kernel: _gather.3.cloned.1.call-start
scs
__scs_entry_jumppad:
0x0: {  	(pc) =	sbr.rel $0x88, $3  }
0x1: {  	(tag) =	ssettag $0x0;
	lr =	simm.s32 $0x1  }
0x2: {  	[smem:$0x3F9F] =	sst lr;
	_ =	strace $0xD0000000  }
0x3: {  	_ = 	snop  }
0x4: {  	_ = 	snop  }
0x5: {  	_ = 	snop  }
0x6: {  	_ = 	snop  }
0x7: {  	_ = 	snop  }
__scs_overlays_trampoline_lowered:
0x8: {  	[smem:$0x3FAE] =	sst s0  }
0x9: {  	[smem:$0x3FAF] =	sst s1  }
0xa: {  	[smem:$0x3FB0] =	sst s2  }
0xb: {  	[smem:$0x3FB1] =	sst s3  }
0xc: {  	[smem:$0x3FB2] =	sst s4  }
0xd: {  	[smem:$0x3FB3] =	sst s5  }
0xe: {  	[smem:$0x3FB4] =	sst s6  }
0xf: {  	[smem:$0x3FB5] =	sst s7  }
0x10: {  	[smem:$0x3FB6] =	sst s8  }
0x11: {  	[smem:$0x3FB7] =	sst s9;
	s0 =	simm.s32 @!p0 $0x0  }
0x12: {  	s1 =	sld [smem:$0x3F9D];
	s0 =	simm.s32 @p0 $0x1  }
0x13: {  	[smem:$0x3FB8] =	sst s0;
	s0 =	simm.s32 @!p1 $0x0  }
0x14: {  	s2 =	sld [smem:$0x3F9C];
	s0 =	simm.s32 @p1 $0x1  }
0x15: {  	[smem:$0x3FB9] =	sst s0;
	s0 =	simm.s32 @!p2 $0x0  }
0x16: {  	s3 =	sld [smem:$0x3FDB];
	s0 =	simm.s32 @p2 $0x1  }
0x17: {  	s4 =	simm.s32 $0x1BF5;
	[smem:$0x3FBB] =	sst s0  }
0x18: {  	s0 =	sld [smem:$0x3F9E];
	_ =	swait.ge [sflag:s4], $0x0  }
0x19: {  	s7 =	sld [smem:$0x3F9F]  }
0x1a: {  	s8 =	sadd.s32 $0xFFFFE003, lr  }
0x1b: {  	s9 =	sadd.s32 $0xFFFFFEF7, lr;
	s5 =	simm.s32 $0xFFFFFFFF;
	p2 =	slt.u32 s8, $0xFFFFF086  }
0x1c: {  	p1 =	slt.u32 s9, $0xF7A;
	s5 =	simm.s32 @!p2 $0x0  }
0x1d: {  	s5 =	simm.s32 @p1 $0x1;
	p0 =	seq.s32 s7, s2  }
0x1e: {  	s7 =	smul.u32 @!p0 $0xF7A, s2;
	p2 =	seq.s32 @!p0 s5, $0x0  }
0x1f: {  	s9 =	smul.u32 $0xF7A, s1;
	s8 =	simm.s32 @!p0 $0x1BF5;
	p2 =	por !p2, p0  }
0x20: {  	[sflag:s8] =	ssyncset.s32 @!p0 $0xFFFFF086;
	s6 =	sadd.s32 @!p0 s3, s7;
	s7 =	simm.s32 @!p0 $0x108  }
0x21: {  	s3 =	sadd.s32 s3, s9;
	s6 =	sadd.s32 @!p0 $0x88, s6;
	s7 =	simm.s32 @p2 $0x1082  }
0x22: {  	[simem:s7], [sflag:s8] =	dma.local @!p0 [hbm:s6], $0xF7A  }
0x23: {  	s9 =	sor.u32 $0xD0000000, s2;
	s6 =	simm.s32 $0x108;
	_ =	swait.ge @!p0 [sflag:s8], $0x0  }
0x24: {  	s3 =	sadd.s32 $0x88, s3;
	s6 =	simm.s32 @!p1 $0x1082;
	[sflag:s4] =	ssyncset.s32 $0xFFFFF086  }
0x25: {  	[simem:s6], [sflag:s4] =	dma.local [hbm:s3], $0xF7A  }
0x26: {  	[smem:$0x3F9F] =	sst s1;
	(tag) =	ssettag s2;
	_ =	strace s9  }
0x27: {  	s1 =	sld [smem:$0x3FAF]  }
0x28: {  	s2 =	sld [smem:$0x3FB0]  }
0x29: {  	s4 =	sld [smem:$0x3FB2]  }
0x2a: {  	p0 =	seq.s32 s5, $0x0;
	s5 =	sld [smem:$0x3FB3]  }
0x2b: {  	s6 =	sld [smem:$0x3FB4]  }
0x2c: {  	s7 =	sld [smem:$0x3FB5]  }
0x2d: {  	s3 =	simm.s32 $0x108;
	s8 =	sld [smem:$0x3FB6]  }
0x2e: {  	s3 =	simm.s32 @!p0 $0x1082;
	s9 =	sld [smem:$0x3FB7]  }
0x2f: {  	lr =	sadd.s32 s0, s3;
	s0 =	sld [smem:$0x3FAE]  }
0x30: {  	s3 =	sld [smem:$0x3FB1]  }
0x31: {  	[smem:$0x3FBA] =	sst s10  }
0x32: {  	s10 =	sld [smem:$0x3FB8];
	_ =	sdelay $0x3  }
0x33: {  	p0 =	seq.s32 s10, $0x1;
	s10 =	sld [smem:$0x3FBA];
	_ =	sdelay $0x3  }
0x34: {  	[smem:$0x3FBA] =	sst s10  }
0x35: {  	s10 =	sld [smem:$0x3FB9];
	_ =	sdelay $0x3  }
0x36: {  	p1 =	seq.s32 s10, $0x1;
	s10 =	sld [smem:$0x3FBA];
	_ =	sdelay $0x3  }
0x37: {  	[smem:$0x3FBA] =	sst s10  }
0x38: {  	s10 =	sld [smem:$0x3FBB]  }
0x39: {  	_ = 	snop;
	(pc) =	sbr.ind lr, $3  }
0x3a: {  	_ = 	snop  }
0x3b: {  	_ = 	snop  }
0x3c: {  	p2 =	seq.s32 s10, $0x1;
	s10 =	sld [smem:$0x3FBA]  }
0x3d: {  	_ =	shalt  }
0x3e: {  	_ =	shalt  }
0x3f: {  	_ =	shalt  }
0x40: {  	_ =	shalt  }
0x41: {  	_ =	shalt  }
0x42: {  	_ =	shalt  }
0x43: {  	_ =	shalt  }
0x44: {  	_ =	shalt  }
0x45: {  	_ =	shalt  }
0x46: {  	_ =	shalt  }
0x47: {  	_ =	shalt  }
0x48: {  	_ =	shalt  }
0x49: {  	_ =	shalt  }
0x4a: {  	_ =	shalt  }
0x4b: {  	_ =	shalt  }
0x4c: {  	_ =	shalt  }
0x4d: {  	_ =	shalt  }
0x4e: {  	_ =	shalt  }
0x4f: {  	_ =	shalt  }
0x50: {  	_ =	shalt  }
0x51: {  	_ =	shalt  }
0x52: {  	_ =	shalt  }
0x53: {  	_ =	shalt  }
0x54: {  	_ =	shalt  }
0x55: {  	_ =	shalt  }
0x56: {  	_ =	shalt  }
0x57: {  	_ =	shalt  }
0x58: {  	_ =	shalt  }
0x59: {  	_ =	shalt  }
0x5a: {  	_ =	shalt  }
0x5b: {  	_ =	shalt  }
0x5c: {  	_ =	shalt  }
0x5d: {  	_ =	shalt  }
0x5e: {  	_ =	shalt  }
0x5f: {  	_ =	shalt  }
0x60: {  	_ =	shalt  }
0x61: {  	_ =	shalt  }
0x62: {  	_ =	shalt  }
0x63: {  	_ =	shalt  }
0x64: {  	_ =	shalt  }
0x65: {  	_ =	shalt  }
0x66: {  	_ =	shalt  }
0x67: {  	_ =	shalt  }
0x68: {  	_ =	shalt  }
0x69: {  	_ =	shalt  }
0x6a: {  	_ =	shalt  }
0x6b: {  	_ =	shalt  }
0x6c: {  	_ =	shalt  }
0x6d: {  	_ =	shalt  }
0x6e: {  	_ =	shalt  }
0x6f: {  	_ =	shalt  }
0x70: {  	_ =	shalt  }
0x71: {  	_ =	shalt  }
0x72: {  	_ =	shalt  }
0x73: {  	_ =	shalt  }
0x74: {  	_ =	shalt  }
0x75: {  	_ =	shalt  }
0x76: {  	_ =	shalt  }
0x77: {  	_ =	shalt  }
0x78: {  	_ =	shalt  }
0x79: {  	_ =	shalt  }
0x7a: {  	_ =	shalt  }
0x7b: {  	_ =	shalt  }
0x7c: {  	_ =	shalt  }
0x7d: {  	_ =	shalt  }
0x7e: {  	_ =	shalt  }
0x7f: {  	_ =	shalt  }
0x80: {  	_ =	shalt  }
0x81: {  	_ =	shalt  }
0x82: {  	_ =	shalt  }
0x83: {  	_ =	shalt  }
0x84: {  	_ =	shalt  }
0x85: {  	_ =	shalt  }
0x86: {  	_ =	shalt  }
0x87: {  	_ =	shalt  }
.Lfunc_end0:
.L_simem_size_0:
called_computation.1_lowered:
.L_overlay_start_0:
0x88: {  	s2 =	sld [smem:$0x3FD9]  }
0x89: {  	s3 =	sld [smem:$0x3FFE];
	_ =	sdelay $0x1  }
0x8a: {  	s1 =	srdreg.scid  }
0x8b: {  	s0 =	sand.u32 $0x1, s1  }
0x8c: {  	s17 =	sshll.u32 s0, $0xA;
	s2 =	sadd.s32 s3, s2  }
0x8d: {  	s2 =	sadd.s32 s2, s17  }
0x8e: {  	[smem:$0x3FC6] =	sst s2  }
0x8f: {  	_ = 	snop  }
0x90: {  	s2 =	sld [smem:$0x3FC9]  }
0x91: {  	s18 =	sld [smem:$0x3FD0];
	(tm) =	ssettm $0x1  }
0x92: {  	s4 =	sld [smem:$0x3FFB];
	_ =	sdelay $0x3  }
0x93: {  	_ =	strace s4  }
0x94: {  	s4 =	sld [smem:$0x3FFC];
	_ =	sdelay $0x3  }
0x95: {  	_ =	strace s4  }
0x96: {  	s4 =	sld [smem:$0x3FFD];
	_ =	sdelay $0x3  }
0x97: {  	_ =	strace s4  }
0x98: {  	_ =	strace $0x8FFFFFFF  }
0x99: {  	s19 =	sld [smem:$0x3FDB];
	_ =	sdelay $0x1  }
0x9a: {  	s5 =	simm.s32 $_scs_section_size  }
0x9b: {  	s6 =	simm.s32 $_size__tile_overlayer_lowered;
	s7 =	simm.s32 $_tile_overlayer_lowered  }
0x9c: {  	s22 =	simm.s32 $0x1BFF;
	s21 =	sshll.u32 s7, $0x1;
	s4 =	sadd.s32 s5, s19  }
0x9d: {  	s8 =	simm.s32 $0x0;
	s20 =	sshll.u32 s6, $0x1;
	s6 =	sadd.s32 s21, s4  }
0x9e: {  	[timem:s8], [sflag:s22] =	dma.local [hbm:s6], s20  }
0x9f: {  	_ =	swait.ge [sflag:s22], s20  }
0xa0: {  	s5 =	ssub.s32 $0x0, s20;
	[sflag:s22] =	ssyncset.done $0x0  }
0xa1: {  	[sflag:s22] =	ssyncadd.s32 s5;
	_ =	sdelay $0x1  }
0xa2: {  	s23 =	simm.s32 $0x1B8B  }
0xa3: {  	_ =	swait.ge [sflag:s23], $0x1  }
0xa4: {  	[sflag:s23] =	ssyncset.done $0x0  }
0xa5: {  	s25 =	simm.s32 $0x1B8E;
	s24 =	sld [smem:$0x3FFE];
	[sflag:s23] =	ssyncadd.s32 $0xFFFFFFFF  }
0xa6: {  	s26 =	simm.s32 $execute0_lowered;
	[smem:$0x3FD2] =	sst s25  }
0xa7: {  	s6 =	sshll.u32 s26, $0x1;
	_ =	strace $0x80000046;
	[dreg:$0x1] =	wrdreg $0xFFFFFFFF  }
0xa8: {  	s28 =	simm.s32 $_size_execute0_lowered;
	s4 =	sadd.s32 s4, s6;
	[dreg:$0x0] =	wrdreg $0x0  }
0xa9: {  	s6 =	sshll.u32 s28, $0x1;
	[dreg:$0x2] =	wrdreg s4  }
0xaa: {  	[dreg:$0x3] =	wrdreg s6  }
0xab: {  	[dreg:$0x4] =	wrdreg $0xC0  }
0xac: {  	_ =	task [dreg:s8], $0x5FFFF  }
0xad: {  	[dreg:$0x1] =	wrdreg $0xFFFFFFFF  }
0xae: {  	[dreg:$0x0] =	wrdreg $0x60  }
0xaf: {  	[dreg:$0x2] =	wrdreg s2  }
0xb0: {  	[dreg:$0x3] =	wrdreg s24  }
0xb1: {  	[dreg:$0x4] =	wrdreg s18  }
0xb2: {  	[dreg:$0x5] =	wrdreg $0x9  }
0xb3: {  	_ =	task.clear_ibuf [dreg:s8], $0x6FFFF;
	_ =	strace $0x90000046  }
0xb4: {  	s29 =	simm.s32 $0x9;
	_ =	strace $0x80000048  }
0xb5: {  	_ =	swait.ge [sflag:s29], $0x1  }
0xb6: {  	[sflag:s29] =	ssyncadd.s32 $0xFFFFFFFF  }
0xb7: {  	_ =	strace $0x90000048  }
0xb8: {  	_ =	sfence  }
0xb9: {  	s30 =	sld [smem:$0x0];
	_ =	sdelay $0x2  }
0xba: {  	s31 =	sshll.u32 s1, $0xD;
	s1 =	sshrl.u32 s1, $0x2  }
0xbb: {  	s3 =	sand.u32 $0x4000, s31;
	s1 =	sadd.s32 s1, s30  }
0xbc: {  	s0 =	sor.u32 s3, s0;
	s1 =	sshll.u32 s1, $0x11  }
0xbd: {  	s0 =	sor.u32 s1, s0  }
0xbe: {  	s0 =	sadd.s32 $0x8F2B, s0  }
0xbf: {  	[sflag:s0] =	ssyncadd.remote.s32 $0x1  }
0xc0: {  	_ =	sfence.sel $0xFFFF  }
0xc1: {  	[dreg:$0x0] =	wrdreg $0xFFFFFFFF;
	(pc) =	sbr.abs _section_cstart, $3  }
0xc2: {  	[dreg:$0x1] =	wrdreg $0xFFFFFFFF  }
0xc3: {  	_ =	task.clear_ibuf [dreg:s8], $0x2FFFF;
	_ =	strace $0x9FFFFFFF  }
0xc4: {  	(tm) =	ssettm $0x7FFFFFFF  }
0xc5: {  	_ =	shalt  }
tec
execute0_lowered:
.L_overlay_start_1:
0x0: {  	(tag) =	ssettag $0x1  }
0x1: {  	s0 =	rddreg [dreg:$0x0]  }
0x2: {  	s3 =	rddreg [dreg:$0x1]  }
0x3: {  	s4 =	rddreg [dreg:$0x2]  }
0x4: {  	s2 =	simm.s32 $0x0;
	s5 =	srdreg.scid;
	s1 =	stileid.u32  }
0x5: {  	s30 =	simm.s32 $0x5;
	s16 =	simm.s32 $0x20;
	p0 =	por $0x0, $0x0  }
0x6: {  	s11 =	simm.s32 $0xBBC0;
	s5 =	sand.u32 $0x1, s5;
	s6 =	sshll.u32 s1, $0x1  }
0x7: {  	[smem:$0x7FF] =	sst s2;
	s3 =	sadd.s32 $0x800, s3;
	s6 =	sor.u32 s5, s6  }
0x8: {  	_ =	strace $0x80000047;
	s5 =	ssub.s32 $0x2, s5;
	s7 =	smul.u32 $0xBB800, s6  }
0x9: {  	s8 =	sshrl.u32 s5, $0x1;
	s9 =	sshll.u32 s6, $0x2;
	s6 =	smul.u32 $0x17700, s6  }
0xa: {  	s10 =	ssub.s32 s5, s8;
	s0 =	sadd.s32 s0, s9;
	s9 =	simm.s32 $0x30  }
0xb: {  	s12 =	sshrl.u32 s7, $0x3;
	[dreg:$0x4] =	wrdreg s0;
	s29 =	sadd.s32 s4, s6  }
0xc: {  	s14 =	smax.u32 s10, $0x1;
	s7 =	simm.s32 $0x10;
	s6 =	simm.s32 $0x40  }
0xd: {  	s10 =	simm.s32 $0x3;
	s13 =	sadd.s32 s4, s12;
	p1 =	sne.s32 s14, $0x1  }
0xe: {  	s31 =	sadd.s32 $0xFFFFFFFF, s14;
	s14 =	simm.s32 $0x2;
	s12 =	simm.s32 $0x4  }
0xf: {  	s0 =	rddreg [dreg:$0x4];
	s28 =	sadd.s32 $0x1770, s13;
	s26 =	sadd.s32 $0x2EE0, s13  }
.Ltmp0:
0x10: {  	v0 =	vlaneseq.u32;
	s25 =	sadd.s32 $0x4650, s13;
	s24 =	sadd.s32 $0x5DC0, s13;
	(pc) =	sbr.rel @!p1 .LBB2_3-.Ltmp0, $4  }
0x11: {  	v8 =	vshrl.u32 v0, $0x3;
	s23 =	sadd.s32 $0x7530, s13;
	s22 =	sadd.s32 $0x8CA0, s13;
	s21 =	sadd.s32 $0xA410, s13  }
0x12: {  	v0 =	vand.u32 $0x7, v0;
	v7 =	vor.u32 $0x2, v8;
	s20 =	sadd.s32 $0xBB80, s13;
	s19 =	sadd.s32 $0xD2F0, s13;
	s18 =	sadd.s32 $0xEA60, s13  }
0x13: {  	v6 =	vor.u32 $0x4, v8;
	v5 =	vor.u32 $0x6, v8;
	v4 =	vor.u32 $0x8, v8;
	s17 =	sadd.s32 $0x101D0, s13;
	s15 =	sadd.s32 $0x11940, s13;
	s8 =	sadd.s32 $0x130B0, s13  }
0x14: {  	v3 =	vor.u32 $0xA, v8;
	v2 =	vor.u32 $0xC, v8;
	v1 =	vor.u32 $0xE, v8;
	s5 =	sadd.s32 $0x14820, s13;
	s4 =	sadd.s32 $0x15F90, s13;
	s13 =	simm.s32 $0x1  }
0x15: {  	[tilespmem:s2], [sflag:$0x5] =	stream.linear.gather [hbm4b:s0+s2], $0x20, $0x38;
	[tilespmem:$0x17740] =	vst v63  }
0x16: {  	_ =	swait.ge [sflag:s30], $0x20  }
0x17: {  	[sflag:s30] =	ssyncset.done $0x0  }
0x18: {  	[sflag:s30] =	ssyncadd.s32 $0xFFFFFFE0  }
0x19: {  	v9 =	vld [tilespmem:$0x0];
	_ =	sdelay $0x4  }
0x1a: {  	v9 =	vperm.xlane v9, v8;
	_ =	sdelay $0x1  }
0x1b: {  	v9 =	vshll.u32 v9, $0x3  }
0x1c: {  	v9 =	vor.u32 v0, v9  }
0x1d: {  	[tilespmem:$0x20] =	vst v9  }
0x1e: {  	[tilespmem:s6], [sflag:$0x1] =	stream.indirect.gather [hbm4b:s3+s7], $0xBB8, s16, s7, $0xb8;
	[tilespmem:$0x17740] =	vst v63  }
0x1f: {  	v9 =	vld [tilespmem:$0x0];
	_ =	sdelay $0x4  }
0x20: {  	v9 =	vperm.xlane v9, v7;
	_ =	sdelay $0x1  }
0x21: {  	v9 =	vshll.u32 v9, $0x3  }
0x22: {  	v9 =	vor.u32 v0, v9  }
0x23: {  	[tilespmem:$0x30] =	vst v9  }
0x24: {  	[tilespmem:s11], [sflag:$0x2] =	stream.indirect.gather [hbm4b:s3+s7], $0xBB8, s9, s7, $0xb8;
	[tilespmem:$0x17740] =	vst v63  }
0x25: {  	_ =	swait.ge [sflag:s13], $0xBB80  }
0x26: {  	[sflag:s13] =	ssyncset.done $0x0  }
0x27: {  	[sflag:s13] =	ssyncadd.s32 $0xFFFF4480  }
0x28: {  	[hbm4b:s29+s2] =	stream.linear.scatter [tilespmem:s6], [sflag:$0x3], $0xBB80, $0x38;
	[tilespmem:$0x17740] =	vst v63  }
0x29: {  	v9 =	vld [tilespmem:$0x0];
	_ =	sdelay $0x4  }
0x2a: {  	v9 =	vperm.xlane v9, v6;
	_ =	sdelay $0x1  }
0x2b: {  	v9 =	vshll.u32 v9, $0x3  }
0x2c: {  	v9 =	vor.u32 v0, v9  }
0x2d: {  	[tilespmem:$0x20] =	vst v9  }
0x2e: {  	_ =	swait.ge [sflag:s10], $0xBB80  }
0x2f: {  	[sflag:s10] =	ssyncset.done $0x0  }
0x30: {  	[sflag:s10] =	ssyncadd.s32 $0xFFFF4480  }
0x31: {  	[tilespmem:s6], [sflag:$0x1] =	stream.indirect.gather [hbm4b:s3+s7], $0xBB8, s16, s7, $0xb8;
	[tilespmem:$0x17740] =	vst v63  }
0x32: {  	_ =	swait.ge [sflag:s14], $0xBB80  }
0x33: {  	[sflag:s14] =	ssyncset.done $0x0  }
0x34: {  	[sflag:s14] =	ssyncadd.s32 $0xFFFF4480  }
0x35: {  	[hbm4b:s28+s2] =	stream.linear.scatter [tilespmem:s11], [sflag:$0x4], $0xBB80, $0x38;
	[tilespmem:$0x17740] =	vst v63  }
0x36: {  	v9 =	vld [tilespmem:$0x0];
	_ =	sdelay $0x4  }
0x37: {  	v9 =	vperm.xlane v9, v5;
	_ =	sdelay $0x1  }
0x38: {  	v9 =	vshll.u32 v9, $0x3  }
0x39: {  	v9 =	vor.u32 v0, v9  }
0x3a: {  	[tilespmem:$0x30] =	vst v9  }
0x3b: {  	_ =	swait.ge [sflag:s12], $0xBB80  }
0x3c: {  	[sflag:s12] =	ssyncset.done $0x0  }
0x3d: {  	[sflag:s12] =	ssyncadd.s32 $0xFFFF4480  }
0x3e: {  	[tilespmem:s11], [sflag:$0x2] =	stream.indirect.gather [hbm4b:s3+s7], $0xBB8, s9, s7, $0xb8;
	[tilespmem:$0x17740] =	vst v63  }
0x3f: {  	_ =	swait.ge [sflag:s13], $0xBB80  }
0x40: {  	[sflag:s13] =	ssyncset.done $0x0  }
0x41: {  	[sflag:s13] =	ssyncadd.s32 $0xFFFF4480  }
0x42: {  	[hbm4b:s26+s2] =	stream.linear.scatter [tilespmem:s6], [sflag:$0x3], $0xBB80, $0x38;
	[tilespmem:$0x17740] =	vst v63  }
0x43: {  	v9 =	vld [tilespmem:$0x0];
	_ =	sdelay $0x4  }
0x44: {  	v9 =	vperm.xlane v9, v4;
	_ =	sdelay $0x1  }
0x45: {  	v9 =	vshll.u32 v9, $0x3  }
0x46: {  	v9 =	vor.u32 v0, v9  }
0x47: {  	[tilespmem:$0x20] =	vst v9  }
0x48: {  	_ =	swait.ge [sflag:s10], $0xBB80  }
0x49: {  	[sflag:s10] =	ssyncset.done $0x0  }
0x4a: {  	[sflag:s10] =	ssyncadd.s32 $0xFFFF4480  }
0x4b: {  	[tilespmem:s6], [sflag:$0x1] =	stream.indirect.gather [hbm4b:s3+s7], $0xBB8, s16, s7, $0xb8;
	[tilespmem:$0x17740] =	vst v63  }
0x4c: {  	_ =	swait.ge [sflag:s14], $0xBB80  }
0x4d: {  	[sflag:s14] =	ssyncset.done $0x0  }
0x4e: {  	[sflag:s14] =	ssyncadd.s32 $0xFFFF4480  }
0x4f: {  	[hbm4b:s25+s2] =	stream.linear.scatter [tilespmem:s11], [sflag:$0x4], $0xBB80, $0x38;
	[tilespmem:$0x17740] =	vst v63  }
0x50: {  	v9 =	vld [tilespmem:$0x0];
	_ =	sdelay $0x4  }
0x51: {  	v9 =	vperm.xlane v9, v3;
	_ =	sdelay $0x1  }
0x52: {  	v9 =	vshll.u32 v9, $0x3  }
0x53: {  	v9 =	vor.u32 v0, v9  }
0x54: {  	[tilespmem:$0x30] =	vst v9  }
0x55: {  	_ =	swait.ge [sflag:s12], $0xBB80  }
0x56: {  	[sflag:s12] =	ssyncset.done $0x0  }
0x57: {  	[sflag:s12] =	ssyncadd.s32 $0xFFFF4480  }
0x58: {  	[tilespmem:s11], [sflag:$0x2] =	stream.indirect.gather [hbm4b:s3+s7], $0xBB8, s9, s7, $0xb8;
	[tilespmem:$0x17740] =	vst v63  }
0x59: {  	_ =	swait.ge [sflag:s13], $0xBB80  }
0x5a: {  	[sflag:s13] =	ssyncset.done $0x0  }
0x5b: {  	[sflag:s13] =	ssyncadd.s32 $0xFFFF4480  }
0x5c: {  	[hbm4b:s24+s2] =	stream.linear.scatter [tilespmem:s6], [sflag:$0x3], $0xBB80, $0x38;
	[tilespmem:$0x17740] =	vst v63  }
0x5d: {  	v9 =	vld [tilespmem:$0x0];
	_ =	sdelay $0x4  }
0x5e: {  	v9 =	vperm.xlane v9, v2;
	_ =	sdelay $0x1  }
0x5f: {  	v9 =	vshll.u32 v9, $0x3  }
0x60: {  	v9 =	vor.u32 v0, v9  }
0x61: {  	[tilespmem:$0x20] =	vst v9  }
0x62: {  	_ =	swait.ge [sflag:s10], $0xBB80  }
0x63: {  	[sflag:s10] =	ssyncset.done $0x0  }
0x64: {  	[sflag:s10] =	ssyncadd.s32 $0xFFFF4480  }
0x65: {  	[tilespmem:s6], [sflag:$0x1] =	stream.indirect.gather [hbm4b:s3+s7], $0xBB8, s16, s7, $0xb8;
	[tilespmem:$0x17740] =	vst v63  }
0x66: {  	_ =	swait.ge [sflag:s14], $0xBB80  }
0x67: {  	[sflag:s14] =	ssyncset.done $0x0  }
0x68: {  	[sflag:s14] =	ssyncadd.s32 $0xFFFF4480  }
0x69: {  	[hbm4b:s23+s2] =	stream.linear.scatter [tilespmem:s11], [sflag:$0x4], $0xBB80, $0x38;
	[tilespmem:$0x17740] =	vst v63  }
0x6a: {  	v9 =	vld [tilespmem:$0x0];
	_ =	sdelay $0x4  }
0x6b: {  	v9 =	vperm.xlane v9, v1;
	_ =	sdelay $0x1  }
0x6c: {  	v9 =	vshll.u32 v9, $0x3  }
0x6d: {  	v9 =	vor.u32 v0, v9  }
0x6e: {  	[tilespmem:$0x30] =	vst v9  }
0x6f: {  	_ =	swait.ge [sflag:s12], $0xBB80  }
0x70: {  	[sflag:s12] =	ssyncset.done $0x0  }
0x71: {  	[sflag:s12] =	ssyncadd.s32 $0xFFFF4480  }
0x72: {  	[tilespmem:s11], [sflag:$0x2] =	stream.indirect.gather [hbm4b:s3+s7], $0xBB8, s9, s7, $0xb8;
	[tilespmem:$0x17740] =	vst v63  }
0x73: {  	_ =	swait.ge [sflag:s13], $0xBB80  }
0x74: {  	[sflag:s13] =	ssyncset.done $0x0  }
0x75: {  	[sflag:s13] =	ssyncadd.s32 $0xFFFF4480  }
0x76: {  	[hbm4b:s22+s2] =	stream.linear.scatter [tilespmem:s6], [sflag:$0x3], $0xBB80, $0x38;
	[tilespmem:$0x17740] =	vst v63  }
0x77: {  	v9 =	vld [tilespmem:$0x10];
	_ =	sdelay $0x4  }
0x78: {  	v9 =	vperm.xlane v9, v8;
	_ =	sdelay $0x1  }
0x79: {  	v9 =	vshll.u32 v9, $0x3  }
0x7a: {  	v9 =	vor.u32 v0, v9  }
0x7b: {  	[tilespmem:$0x20] =	vst v9  }
0x7c: {  	_ =	swait.ge [sflag:s10], $0xBB80  }
0x7d: {  	[sflag:s10] =	ssyncset.done $0x0  }
0x7e: {  	[sflag:s10] =	ssyncadd.s32 $0xFFFF4480  }
0x7f: {  	[tilespmem:s6], [sflag:$0x1] =	stream.indirect.gather [hbm4b:s3+s7], $0xBB8, s16, s7, $0xb8;
	[tilespmem:$0x17740] =	vst v63  }
0x80: {  	_ =	swait.ge [sflag:s14], $0xBB80  }
0x81: {  	[sflag:s14] =	ssyncset.done $0x0  }
0x82: {  	[sflag:s14] =	ssyncadd.s32 $0xFFFF4480  }
0x83: {  	[hbm4b:s21+s2] =	stream.linear.scatter [tilespmem:s11], [sflag:$0x4], $0xBB80, $0x38;
	[tilespmem:$0x17740] =	vst v63  }
0x84: {  	v9 =	vld [tilespmem:$0x10];
	_ =	sdelay $0x4  }
0x85: {  	v9 =	vperm.xlane v9, v7;
	_ =	sdelay $0x1  }
0x86: {  	v9 =	vshll.u32 v9, $0x3  }
0x87: {  	v9 =	vor.u32 v0, v9  }
0x88: {  	[tilespmem:$0x30] =	vst v9  }
0x89: {  	_ =	swait.ge [sflag:s12], $0xBB80  }
0x8a: {  	[sflag:s12] =	ssyncset.done $0x0  }
0x8b: {  	[sflag:s12] =	ssyncadd.s32 $0xFFFF4480  }
0x8c: {  	[tilespmem:s11], [sflag:$0x2] =	stream.indirect.gather [hbm4b:s3+s7], $0xBB8, s9, s7, $0xb8;
	[tilespmem:$0x17740] =	vst v63  }
0x8d: {  	_ =	swait.ge [sflag:s13], $0xBB80  }
0x8e: {  	[sflag:s13] =	ssyncset.done $0x0  }
0x8f: {  	[sflag:s13] =	ssyncadd.s32 $0xFFFF4480  }
0x90: {  	[hbm4b:s20+s2] =	stream.linear.scatter [tilespmem:s6], [sflag:$0x3], $0xBB80, $0x38;
	[tilespmem:$0x17740] =	vst v63  }
0x91: {  	v9 =	vld [tilespmem:$0x10];
	_ =	sdelay $0x4  }
0x92: {  	v9 =	vperm.xlane v9, v6;
	_ =	sdelay $0x1  }
0x93: {  	v9 =	vshll.u32 v9, $0x3  }
0x94: {  	v9 =	vor.u32 v0, v9  }
0x95: {  	[tilespmem:$0x20] =	vst v9  }
0x96: {  	_ =	swait.ge [sflag:s10], $0xBB80  }
0x97: {  	[sflag:s10] =	ssyncset.done $0x0  }
0x98: {  	[sflag:s10] =	ssyncadd.s32 $0xFFFF4480  }
0x99: {  	[tilespmem:s6], [sflag:$0x1] =	stream.indirect.gather [hbm4b:s3+s7], $0xBB8, s16, s7, $0xb8;
	[tilespmem:$0x17740] =	vst v63  }
0x9a: {  	_ =	swait.ge [sflag:s14], $0xBB80  }
0x9b: {  	[sflag:s14] =	ssyncset.done $0x0  }
0x9c: {  	[sflag:s14] =	ssyncadd.s32 $0xFFFF4480  }
0x9d: {  	[hbm4b:s19+s2] =	stream.linear.scatter [tilespmem:s11], [sflag:$0x4], $0xBB80, $0x38;
	[tilespmem:$0x17740] =	vst v63  }
0x9e: {  	v9 =	vld [tilespmem:$0x10];
	_ =	sdelay $0x4  }
0x9f: {  	v9 =	vperm.xlane v9, v5;
	_ =	sdelay $0x1  }
0xa0: {  	v9 =	vshll.u32 v9, $0x3  }
0xa1: {  	v9 =	vor.u32 v0, v9  }
0xa2: {  	[tilespmem:$0x30] =	vst v9  }
0xa3: {  	_ =	swait.ge [sflag:s12], $0xBB80  }
0xa4: {  	[sflag:s12] =	ssyncset.done $0x0  }
0xa5: {  	[sflag:s12] =	ssyncadd.s32 $0xFFFF4480  }
0xa6: {  	[tilespmem:s11], [sflag:$0x2] =	stream.indirect.gather [hbm4b:s3+s7], $0xBB8, s9, s7, $0xb8;
	[tilespmem:$0x17740] =	vst v63  }
0xa7: {  	_ =	swait.ge [sflag:s13], $0xBB80  }
0xa8: {  	[sflag:s13] =	ssyncset.done $0x0  }
0xa9: {  	[sflag:s13] =	ssyncadd.s32 $0xFFFF4480  }
0xaa: {  	[hbm4b:s18+s2] =	stream.linear.scatter [tilespmem:s6], [sflag:$0x3], $0xBB80, $0x38;
	[tilespmem:$0x17740] =	vst v63  }
0xab: {  	v9 =	vld [tilespmem:$0x10];
	_ =	sdelay $0x4  }
0xac: {  	v9 =	vperm.xlane v9, v4;
	_ =	sdelay $0x1  }
0xad: {  	v9 =	vshll.u32 v9, $0x3  }
0xae: {  	v9 =	vor.u32 v0, v9  }
0xaf: {  	[tilespmem:$0x20] =	vst v9  }
0xb0: {  	_ =	swait.ge [sflag:s10], $0xBB80  }
0xb1: {  	[sflag:s10] =	ssyncset.done $0x0  }
0xb2: {  	[sflag:s10] =	ssyncadd.s32 $0xFFFF4480  }
0xb3: {  	[tilespmem:s6], [sflag:$0x1] =	stream.indirect.gather [hbm4b:s3+s7], $0xBB8, s16, s7, $0xb8;
	[tilespmem:$0x17740] =	vst v63  }
0xb4: {  	_ =	swait.ge [sflag:s14], $0xBB80  }
0xb5: {  	[sflag:s14] =	ssyncset.done $0x0  }
0xb6: {  	[sflag:s14] =	ssyncadd.s32 $0xFFFF4480  }
0xb7: {  	[hbm4b:s17+s2] =	stream.linear.scatter [tilespmem:s11], [sflag:$0x4], $0xBB80, $0x38;
	[tilespmem:$0x17740] =	vst v63  }
0xb8: {  	v9 =	vld [tilespmem:$0x10];
	_ =	sdelay $0x4  }
0xb9: {  	v9 =	vperm.xlane v9, v3;
	_ =	sdelay $0x1  }
0xba: {  	v9 =	vshll.u32 v9, $0x3  }
0xbb: {  	v9 =	vor.u32 v0, v9  }
0xbc: {  	[tilespmem:$0x30] =	vst v9  }
0xbd: {  	_ =	swait.ge [sflag:s12], $0xBB80  }
0xbe: {  	[sflag:s12] =	ssyncset.done $0x0  }
0xbf: {  	[sflag:s12] =	ssyncadd.s32 $0xFFFF4480  }
0xc0: {  	[tilespmem:s11], [sflag:$0x2] =	stream.indirect.gather [hbm4b:s3+s7], $0xBB8, s9, s7, $0xb8;
	[tilespmem:$0x17740] =	vst v63  }
0xc1: {  	_ =	swait.ge [sflag:s13], $0xBB80  }
0xc2: {  	[sflag:s13] =	ssyncset.done $0x0  }
0xc3: {  	[sflag:s13] =	ssyncadd.s32 $0xFFFF4480  }
0xc4: {  	[hbm4b:s15+s2] =	stream.linear.scatter [tilespmem:s6], [sflag:$0x3], $0xBB80, $0x38;
	[tilespmem:$0x17740] =	vst v63  }
0xc5: {  	v9 =	vld [tilespmem:$0x10];
	_ =	sdelay $0x4  }
0xc6: {  	v9 =	vperm.xlane v9, v2;
	_ =	sdelay $0x1  }
0xc7: {  	v9 =	vshll.u32 v9, $0x3  }
0xc8: {  	v9 =	vor.u32 v0, v9  }
0xc9: {  	[tilespmem:$0x20] =	vst v9  }
0xca: {  	_ =	swait.ge [sflag:s10], $0xBB80  }
0xcb: {  	[sflag:s10] =	ssyncset.done $0x0  }
0xcc: {  	[sflag:s10] =	ssyncadd.s32 $0xFFFF4480  }
0xcd: {  	[tilespmem:s6], [sflag:$0x1] =	stream.indirect.gather [hbm4b:s3+s7], $0xBB8, s16, s7, $0xb8;
	[tilespmem:$0x17740] =	vst v63  }
0xce: {  	_ =	swait.ge [sflag:s14], $0xBB80  }
0xcf: {  	[sflag:s14] =	ssyncset.done $0x0  }
0xd0: {  	[sflag:s14] =	ssyncadd.s32 $0xFFFF4480  }
0xd1: {  	[hbm4b:s8+s2] =	stream.linear.scatter [tilespmem:s11], [sflag:$0x4], $0xBB80, $0x38;
	[tilespmem:$0x17740] =	vst v63  }
0xd2: {  	v9 =	vld [tilespmem:$0x10];
	_ =	sdelay $0x4  }
0xd3: {  	v9 =	vperm.xlane v9, v1;
	_ =	sdelay $0x1  }
0xd4: {  	v9 =	vshll.u32 v9, $0x3  }
0xd5: {  	v9 =	vor.u32 v0, v9  }
0xd6: {  	[tilespmem:$0x30] =	vst v9  }
0xd7: {  	_ =	swait.ge [sflag:s12], $0xBB80  }
0xd8: {  	[sflag:s12] =	ssyncset.done $0x0  }
0xd9: {  	[sflag:s12] =	ssyncadd.s32 $0xFFFF4480  }
0xda: {  	[tilespmem:s11], [sflag:$0x2] =	stream.indirect.gather [hbm4b:s3+s7], $0xBB8, s9, s7, $0xb8;
	[tilespmem:$0x17740] =	vst v63  }
0xdb: {  	_ =	swait.ge [sflag:s13], $0xBB80  }
0xdc: {  	[sflag:s13] =	ssyncset.done $0x0  }
0xdd: {  	[sflag:s13] =	ssyncadd.s32 $0xFFFF4480  }
0xde: {  	[hbm4b:s5+s2] =	stream.linear.scatter [tilespmem:s6], [sflag:$0x3], $0xBB80, $0x38;
	[tilespmem:$0x17740] =	vst v63  }
0xdf: {  	_ =	swait.ge [sflag:s14], $0xBB80  }
0xe0: {  	[sflag:s14] =	ssyncset.done $0x0  }
0xe1: {  	p1 =	sne.s32 s31, $0x1;
	[sflag:s14] =	ssyncadd.s32 $0xFFFF4480  }
0xe2: {  	[hbm4b:s4+s2] =	stream.linear.scatter [tilespmem:s11], [sflag:$0x4], $0xBB80, $0x38;
	[tilespmem:$0x17740] =	vst v63  }
.Ltmp1:
0xe3: {  	_ =	swait.ge [sflag:s10], $0xBB80;
	(pc) =	sbr.rel @!p1 .LBB2_3-.Ltmp1, $4  }
0xe4: {  	[sflag:s10] =	ssyncset.done $0x0  }
0xe5: {  	[sflag:s10] =	ssyncadd.s32 $0xFFFF4480  }
0xe6: {  	s31 =	sadd.s32 $0xFFFFFFFF, s31;
	_ =	swait.ge [sflag:s12], $0xBB80  }
0xe7: {  	p0 =	por $0x1, $0x1;
	s0 =	rddreg [dreg:$0x4];
	[sflag:s12] =	ssyncset.done $0x0  }
.LBB2_2:
0xe8: {  	[sflag:s12] =	ssyncadd.s32 $0xFFFF4480  }
0xe9: {  	[tilespmem:s2], [sflag:$0x5] =	stream.linear.gather [hbm4b:s0+s2], $0x20, $0x38;
	[tilespmem:$0x17740] =	vst v63  }
0xea: {  	_ =	swait.ge [sflag:s30], $0x20  }
0xeb: {  	[sflag:s30] =	ssyncset.done $0x0  }
0xec: {  	[sflag:s30] =	ssyncadd.s32 $0xFFFFFFE0  }
0xed: {  	v9 =	vld [tilespmem:$0x0];
	_ =	sdelay $0x4  }
0xee: {  	v9 =	vperm.xlane v9, v8;
	_ =	sdelay $0x1  }
0xef: {  	v9 =	vshll.u32 v9, $0x3  }
0xf0: {  	v9 =	vor.u32 v0, v9  }
0xf1: {  	[tilespmem:$0x20] =	vst v9  }
0xf2: {  	[tilespmem:s6], [sflag:$0x1] =	stream.indirect.gather [hbm4b:s3+s7], $0xBB8, s16, s7, $0xb8;
	[tilespmem:$0x17740] =	vst v63  }
0xf3: {  	v9 =	vld [tilespmem:$0x0];
	_ =	sdelay $0x4  }
0xf4: {  	v9 =	vperm.xlane v9, v7;
	_ =	sdelay $0x1  }
0xf5: {  	v9 =	vshll.u32 v9, $0x3  }
0xf6: {  	v9 =	vor.u32 v0, v9  }
0xf7: {  	[tilespmem:$0x30] =	vst v9  }
0xf8: {  	[tilespmem:s11], [sflag:$0x2] =	stream.indirect.gather [hbm4b:s3+s7], $0xBB8, s9, s7, $0xb8;
	[tilespmem:$0x17740] =	vst v63  }
0xf9: {  	_ =	swait.ge [sflag:s13], $0xBB80  }
0xfa: {  	[sflag:s13] =	ssyncset.done $0x0  }
0xfb: {  	[sflag:s13] =	ssyncadd.s32 $0xFFFF4480  }
0xfc: {  	[hbm4b:s29+s2] =	stream.linear.scatter [tilespmem:s6], [sflag:$0x3], $0xBB80, $0x38;
	[tilespmem:$0x17740] =	vst v63  }
0xfd: {  	v9 =	vld [tilespmem:$0x0];
	_ =	sdelay $0x4  }
0xfe: {  	v9 =	vperm.xlane v9, v6;
	_ =	sdelay $0x1  }
0xff: {  	v9 =	vshll.u32 v9, $0x3  }
0x100: {  	v9 =	vor.u32 v0, v9  }
0x101: {  	[tilespmem:$0x20] =	vst v9  }
0x102: {  	_ =	swait.ge [sflag:s10], $0xBB80  }
0x103: {  	[sflag:s10] =	ssyncset.done $0x0  }
0x104: {  	[sflag:s10] =	ssyncadd.s32 $0xFFFF4480  }
0x105: {  	[tilespmem:s6], [sflag:$0x1] =	stream.indirect.gather [hbm4b:s3+s7], $0xBB8, s16, s7, $0xb8;
	[tilespmem:$0x17740] =	vst v63  }
0x106: {  	_ =	swait.ge [sflag:s14], $0xBB80  }
0x107: {  	[sflag:s14] =	ssyncset.done $0x0  }
0x108: {  	[sflag:s14] =	ssyncadd.s32 $0xFFFF4480  }
0x109: {  	[hbm4b:s28+s2] =	stream.linear.scatter [tilespmem:s11], [sflag:$0x4], $0xBB80, $0x38;
	[tilespmem:$0x17740] =	vst v63  }
0x10a: {  	v9 =	vld [tilespmem:$0x0];
	_ =	sdelay $0x4  }
0x10b: {  	v9 =	vperm.xlane v9, v5;
	_ =	sdelay $0x1  }
0x10c: {  	v9 =	vshll.u32 v9, $0x3  }
0x10d: {  	v9 =	vor.u32 v0, v9  }
0x10e: {  	[tilespmem:$0x30] =	vst v9  }
0x10f: {  	_ =	swait.ge [sflag:s12], $0xBB80  }
0x110: {  	[sflag:s12] =	ssyncset.done $0x0  }
0x111: {  	[sflag:s12] =	ssyncadd.s32 $0xFFFF4480  }
0x112: {  	[tilespmem:s11], [sflag:$0x2] =	stream.indirect.gather [hbm4b:s3+s7], $0xBB8, s9, s7, $0xb8;
	[tilespmem:$0x17740] =	vst v63  }
0x113: {  	_ =	swait.ge [sflag:s13], $0xBB80  }
0x114: {  	[sflag:s13] =	ssyncset.done $0x0  }
0x115: {  	[sflag:s13] =	ssyncadd.s32 $0xFFFF4480  }
0x116: {  	[hbm4b:s26+s2] =	stream.linear.scatter [tilespmem:s6], [sflag:$0x3], $0xBB80, $0x38;
	[tilespmem:$0x17740] =	vst v63  }
0x117: {  	v9 =	vld [tilespmem:$0x0];
	_ =	sdelay $0x4  }
0x118: {  	v9 =	vperm.xlane v9, v4;
	_ =	sdelay $0x1  }
0x119: {  	v9 =	vshll.u32 v9, $0x3  }
0x11a: {  	v9 =	vor.u32 v0, v9  }
0x11b: {  	[tilespmem:$0x20] =	vst v9  }
0x11c: {  	_ =	swait.ge [sflag:s10], $0xBB80  }
0x11d: {  	[sflag:s10] =	ssyncset.done $0x0  }
0x11e: {  	[sflag:s10] =	ssyncadd.s32 $0xFFFF4480  }
0x11f: {  	[tilespmem:s6], [sflag:$0x1] =	stream.indirect.gather [hbm4b:s3+s7], $0xBB8, s16, s7, $0xb8;
	[tilespmem:$0x17740] =	vst v63  }
0x120: {  	_ =	swait.ge [sflag:s14], $0xBB80  }
0x121: {  	[sflag:s14] =	ssyncset.done $0x0  }
0x122: {  	[sflag:s14] =	ssyncadd.s32 $0xFFFF4480  }
0x123: {  	[hbm4b:s25+s2] =	stream.linear.scatter [tilespmem:s11], [sflag:$0x4], $0xBB80, $0x38;
	[tilespmem:$0x17740] =	vst v63  }
0x124: {  	v9 =	vld [tilespmem:$0x0];
	_ =	sdelay $0x4  }
0x125: {  	v9 =	vperm.xlane v9, v3;
	_ =	sdelay $0x1  }
0x126: {  	v9 =	vshll.u32 v9, $0x3  }
0x127: {  	v9 =	vor.u32 v0, v9  }
0x128: {  	[tilespmem:$0x30] =	vst v9  }
0x129: {  	_ =	swait.ge [sflag:s12], $0xBB80  }
0x12a: {  	[sflag:s12] =	ssyncset.done $0x0  }
0x12b: {  	[sflag:s12] =	ssyncadd.s32 $0xFFFF4480  }
0x12c: {  	[tilespmem:s11], [sflag:$0x2] =	stream.indirect.gather [hbm4b:s3+s7], $0xBB8, s9, s7, $0xb8;
	[tilespmem:$0x17740] =	vst v63  }
0x12d: {  	_ =	swait.ge [sflag:s13], $0xBB80  }
0x12e: {  	[sflag:s13] =	ssyncset.done $0x0  }
0x12f: {  	[sflag:s13] =	ssyncadd.s32 $0xFFFF4480  }
0x130: {  	[hbm4b:s24+s2] =	stream.linear.scatter [tilespmem:s6], [sflag:$0x3], $0xBB80, $0x38;
	[tilespmem:$0x17740] =	vst v63  }
0x131: {  	v9 =	vld [tilespmem:$0x0];
	_ =	sdelay $0x4  }
0x132: {  	v9 =	vperm.xlane v9, v2;
	_ =	sdelay $0x1  }
0x133: {  	v9 =	vshll.u32 v9, $0x3  }
0x134: {  	v9 =	vor.u32 v0, v9  }
0x135: {  	[tilespmem:$0x20] =	vst v9  }
0x136: {  	_ =	swait.ge [sflag:s10], $0xBB80  }
0x137: {  	[sflag:s10] =	ssyncset.done $0x0  }
0x138: {  	[sflag:s10] =	ssyncadd.s32 $0xFFFF4480  }
0x139: {  	[tilespmem:s6], [sflag:$0x1] =	stream.indirect.gather [hbm4b:s3+s7], $0xBB8, s16, s7, $0xb8;
	[tilespmem:$0x17740] =	vst v63  }
0x13a: {  	_ =	swait.ge [sflag:s14], $0xBB80  }
0x13b: {  	[sflag:s14] =	ssyncset.done $0x0  }
0x13c: {  	[sflag:s14] =	ssyncadd.s32 $0xFFFF4480  }
0x13d: {  	[hbm4b:s23+s2] =	stream.linear.scatter [tilespmem:s11], [sflag:$0x4], $0xBB80, $0x38;
	[tilespmem:$0x17740] =	vst v63  }
0x13e: {  	v9 =	vld [tilespmem:$0x0];
	_ =	sdelay $0x4  }
0x13f: {  	v9 =	vperm.xlane v9, v1;
	_ =	sdelay $0x1  }
0x140: {  	v9 =	vshll.u32 v9, $0x3  }
0x141: {  	v9 =	vor.u32 v0, v9  }
0x142: {  	[tilespmem:$0x30] =	vst v9  }
0x143: {  	_ =	swait.ge [sflag:s12], $0xBB80  }
0x144: {  	[sflag:s12] =	ssyncset.done $0x0  }
0x145: {  	[sflag:s12] =	ssyncadd.s32 $0xFFFF4480  }
0x146: {  	[tilespmem:s11], [sflag:$0x2] =	stream.indirect.gather [hbm4b:s3+s7], $0xBB8, s9, s7, $0xb8;
	[tilespmem:$0x17740] =	vst v63  }
0x147: {  	_ =	swait.ge [sflag:s13], $0xBB80  }
0x148: {  	[sflag:s13] =	ssyncset.done $0x0  }
0x149: {  	[sflag:s13] =	ssyncadd.s32 $0xFFFF4480  }
0x14a: {  	[hbm4b:s22+s2] =	stream.linear.scatter [tilespmem:s6], [sflag:$0x3], $0xBB80, $0x38;
	[tilespmem:$0x17740] =	vst v63  }
0x14b: {  	v9 =	vld [tilespmem:$0x10];
	_ =	sdelay $0x4  }
0x14c: {  	v9 =	vperm.xlane v9, v8;
	_ =	sdelay $0x1  }
0x14d: {  	v9 =	vshll.u32 v9, $0x3  }
0x14e: {  	v9 =	vor.u32 v0, v9  }
0x14f: {  	[tilespmem:$0x20] =	vst v9  }
0x150: {  	_ =	swait.ge [sflag:s10], $0xBB80  }
0x151: {  	[sflag:s10] =	ssyncset.done $0x0  }
0x152: {  	[sflag:s10] =	ssyncadd.s32 $0xFFFF4480  }
0x153: {  	[tilespmem:s6], [sflag:$0x1] =	stream.indirect.gather [hbm4b:s3+s7], $0xBB8, s16, s7, $0xb8;
	[tilespmem:$0x17740] =	vst v63  }
0x154: {  	_ =	swait.ge [sflag:s14], $0xBB80  }
0x155: {  	[sflag:s14] =	ssyncset.done $0x0  }
0x156: {  	[sflag:s14] =	ssyncadd.s32 $0xFFFF4480  }
0x157: {  	[hbm4b:s21+s2] =	stream.linear.scatter [tilespmem:s11], [sflag:$0x4], $0xBB80, $0x38;
	[tilespmem:$0x17740] =	vst v63  }
0x158: {  	v9 =	vld [tilespmem:$0x10];
	_ =	sdelay $0x4  }
0x159: {  	v9 =	vperm.xlane v9, v7;
	_ =	sdelay $0x1  }
0x15a: {  	v9 =	vshll.u32 v9, $0x3  }
0x15b: {  	v9 =	vor.u32 v0, v9  }
0x15c: {  	[tilespmem:$0x30] =	vst v9  }
0x15d: {  	_ =	swait.ge [sflag:s12], $0xBB80  }
0x15e: {  	[sflag:s12] =	ssyncset.done $0x0  }
0x15f: {  	[sflag:s12] =	ssyncadd.s32 $0xFFFF4480  }
0x160: {  	[tilespmem:s11], [sflag:$0x2] =	stream.indirect.gather [hbm4b:s3+s7], $0xBB8, s9, s7, $0xb8;
	[tilespmem:$0x17740] =	vst v63  }
0x161: {  	_ =	swait.ge [sflag:s13], $0xBB80  }
0x162: {  	[sflag:s13] =	ssyncset.done $0x0  }
0x163: {  	[sflag:s13] =	ssyncadd.s32 $0xFFFF4480  }
0x164: {  	[hbm4b:s20+s2] =	stream.linear.scatter [tilespmem:s6], [sflag:$0x3], $0xBB80, $0x38;
	[tilespmem:$0x17740] =	vst v63  }
0x165: {  	v9 =	vld [tilespmem:$0x10];
	_ =	sdelay $0x4  }
0x166: {  	v9 =	vperm.xlane v9, v6;
	_ =	sdelay $0x1  }
0x167: {  	v9 =	vshll.u32 v9, $0x3  }
0x168: {  	v9 =	vor.u32 v0, v9  }
0x169: {  	[tilespmem:$0x20] =	vst v9  }
0x16a: {  	_ =	swait.ge [sflag:s10], $0xBB80  }
0x16b: {  	[sflag:s10] =	ssyncset.done $0x0  }
0x16c: {  	[sflag:s10] =	ssyncadd.s32 $0xFFFF4480  }
0x16d: {  	[tilespmem:s6], [sflag:$0x1] =	stream.indirect.gather [hbm4b:s3+s7], $0xBB8, s16, s7, $0xb8;
	[tilespmem:$0x17740] =	vst v63  }
0x16e: {  	_ =	swait.ge [sflag:s14], $0xBB80  }
0x16f: {  	[sflag:s14] =	ssyncset.done $0x0  }
0x170: {  	[sflag:s14] =	ssyncadd.s32 $0xFFFF4480  }
0x171: {  	[hbm4b:s19+s2] =	stream.linear.scatter [tilespmem:s11], [sflag:$0x4], $0xBB80, $0x38;
	[tilespmem:$0x17740] =	vst v63  }
0x172: {  	v9 =	vld [tilespmem:$0x10];
	_ =	sdelay $0x4  }
0x173: {  	v9 =	vperm.xlane v9, v5;
	_ =	sdelay $0x1  }
0x174: {  	v9 =	vshll.u32 v9, $0x3  }
0x175: {  	v9 =	vor.u32 v0, v9  }
0x176: {  	[tilespmem:$0x30] =	vst v9  }
0x177: {  	_ =	swait.ge [sflag:s12], $0xBB80  }
0x178: {  	[sflag:s12] =	ssyncset.done $0x0  }
0x179: {  	[sflag:s12] =	ssyncadd.s32 $0xFFFF4480  }
0x17a: {  	[tilespmem:s11], [sflag:$0x2] =	stream.indirect.gather [hbm4b:s3+s7], $0xBB8, s9, s7, $0xb8;
	[tilespmem:$0x17740] =	vst v63  }
0x17b: {  	_ =	swait.ge [sflag:s13], $0xBB80  }
0x17c: {  	[sflag:s13] =	ssyncset.done $0x0  }
0x17d: {  	[sflag:s13] =	ssyncadd.s32 $0xFFFF4480  }
0x17e: {  	[hbm4b:s18+s2] =	stream.linear.scatter [tilespmem:s6], [sflag:$0x3], $0xBB80, $0x38;
	[tilespmem:$0x17740] =	vst v63  }
0x17f: {  	v9 =	vld [tilespmem:$0x10];
	_ =	sdelay $0x4  }
0x180: {  	v9 =	vperm.xlane v9, v4;
	_ =	sdelay $0x1  }
0x181: {  	v9 =	vshll.u32 v9, $0x3  }
0x182: {  	v9 =	vor.u32 v0, v9  }
0x183: {  	[tilespmem:$0x20] =	vst v9  }
0x184: {  	_ =	swait.ge [sflag:s10], $0xBB80  }
0x185: {  	[sflag:s10] =	ssyncset.done $0x0  }
0x186: {  	[sflag:s10] =	ssyncadd.s32 $0xFFFF4480  }
0x187: {  	[tilespmem:s6], [sflag:$0x1] =	stream.indirect.gather [hbm4b:s3+s7], $0xBB8, s16, s7, $0xb8;
	[tilespmem:$0x17740] =	vst v63  }
0x188: {  	_ =	swait.ge [sflag:s14], $0xBB80  }
0x189: {  	[sflag:s14] =	ssyncset.done $0x0  }
0x18a: {  	[sflag:s14] =	ssyncadd.s32 $0xFFFF4480  }
0x18b: {  	[hbm4b:s17+s2] =	stream.linear.scatter [tilespmem:s11], [sflag:$0x4], $0xBB80, $0x38;
	[tilespmem:$0x17740] =	vst v63  }
0x18c: {  	v9 =	vld [tilespmem:$0x10];
	_ =	sdelay $0x4  }
0x18d: {  	v9 =	vperm.xlane v9, v3;
	_ =	sdelay $0x1  }
0x18e: {  	v9 =	vshll.u32 v9, $0x3  }
0x18f: {  	v9 =	vor.u32 v0, v9  }
0x190: {  	[tilespmem:$0x30] =	vst v9  }
0x191: {  	_ =	swait.ge [sflag:s12], $0xBB80  }
0x192: {  	[sflag:s12] =	ssyncset.done $0x0  }
0x193: {  	[sflag:s12] =	ssyncadd.s32 $0xFFFF4480  }
0x194: {  	[tilespmem:s11], [sflag:$0x2] =	stream.indirect.gather [hbm4b:s3+s7], $0xBB8, s9, s7, $0xb8;
	[tilespmem:$0x17740] =	vst v63  }
0x195: {  	_ =	swait.ge [sflag:s13], $0xBB80  }
0x196: {  	[sflag:s13] =	ssyncset.done $0x0  }
0x197: {  	[sflag:s13] =	ssyncadd.s32 $0xFFFF4480  }
0x198: {  	[hbm4b:s15+s2] =	stream.linear.scatter [tilespmem:s6], [sflag:$0x3], $0xBB80, $0x38;
	[tilespmem:$0x17740] =	vst v63  }
0x199: {  	v9 =	vld [tilespmem:$0x10];
	_ =	sdelay $0x4  }
0x19a: {  	v9 =	vperm.xlane v9, v2;
	_ =	sdelay $0x1  }
0x19b: {  	v9 =	vshll.u32 v9, $0x3  }
0x19c: {  	v9 =	vor.u32 v0, v9  }
0x19d: {  	[tilespmem:$0x20] =	vst v9  }
0x19e: {  	_ =	swait.ge [sflag:s10], $0xBB80  }
0x19f: {  	[sflag:s10] =	ssyncset.done $0x0  }
0x1a0: {  	[sflag:s10] =	ssyncadd.s32 $0xFFFF4480  }
0x1a1: {  	[tilespmem:s6], [sflag:$0x1] =	stream.indirect.gather [hbm4b:s3+s7], $0xBB8, s16, s7, $0xb8;
	[tilespmem:$0x17740] =	vst v63  }
0x1a2: {  	_ =	swait.ge [sflag:s14], $0xBB80  }
0x1a3: {  	[sflag:s14] =	ssyncset.done $0x0  }
0x1a4: {  	[sflag:s14] =	ssyncadd.s32 $0xFFFF4480  }
0x1a5: {  	[hbm4b:s8+s2] =	stream.linear.scatter [tilespmem:s11], [sflag:$0x4], $0xBB80, $0x38;
	[tilespmem:$0x17740] =	vst v63  }
0x1a6: {  	v9 =	vld [tilespmem:$0x10];
	_ =	sdelay $0x4  }
0x1a7: {  	v9 =	vperm.xlane v9, v1;
	_ =	sdelay $0x1  }
0x1a8: {  	v9 =	vshll.u32 v9, $0x3  }
0x1a9: {  	v9 =	vor.u32 v0, v9  }
0x1aa: {  	[tilespmem:$0x30] =	vst v9  }
0x1ab: {  	_ =	swait.ge [sflag:s12], $0xBB80  }
0x1ac: {  	[sflag:s12] =	ssyncset.done $0x0  }
0x1ad: {  	[sflag:s12] =	ssyncadd.s32 $0xFFFF4480  }
0x1ae: {  	[tilespmem:s11], [sflag:$0x2] =	stream.indirect.gather [hbm4b:s3+s7], $0xBB8, s9, s7, $0xb8;
	[tilespmem:$0x17740] =	vst v63  }
0x1af: {  	_ =	swait.ge [sflag:s13], $0xBB80  }
0x1b0: {  	[sflag:s13] =	ssyncset.done $0x0  }
0x1b1: {  	[sflag:s13] =	ssyncadd.s32 $0xFFFF4480  }
0x1b2: {  	[hbm4b:s5+s2] =	stream.linear.scatter [tilespmem:s6], [sflag:$0x3], $0xBB80, $0x38;
	[tilespmem:$0x17740] =	vst v63  }
0x1b3: {  	_ =	swait.ge [sflag:s14], $0xBB80  }
0x1b4: {  	[sflag:s14] =	ssyncset.done $0x0  }
0x1b5: {  	p1 =	sne.s32 s31, $0x1;
	[sflag:s14] =	ssyncadd.s32 $0xFFFF4480  }
0x1b6: {  	[hbm4b:s4+s2] =	stream.linear.scatter [tilespmem:s11], [sflag:$0x4], $0xBB80, $0x38;
	[tilespmem:$0x17740] =	vst v63  }
.Ltmp2:
0x1b7: {  	_ =	swait.ge [sflag:s10], $0xBB80;
	(pc) =	sbr.rel @p1 .LBB2_2-.Ltmp2, $4  }
0x1b8: {  	[sflag:s10] =	ssyncset.done $0x0  }
0x1b9: {  	[sflag:s10] =	ssyncadd.s32 $0xFFFF4480  }
0x1ba: {  	_ =	swait.ge [sflag:s12], $0xBB80  }
0x1bb: {  	s31 =	sadd.s32 $0xFFFFFFFF, s31;
	s0 =	rddreg [dreg:$0x4];
	[sflag:s12] =	ssyncset.done $0x0  }
.LBB2_3:
0x1bc: {  	[sflag:s12] =	ssyncadd.s32 @p0 $0xFFFF4480  }
0x1bd: {  	[tilespmem:s2], [sflag:$0x5] =	stream.linear.gather [hbm4b:s0+s2], $0x20, $0x38;
	[tilespmem:$0x17740] =	vst v63  }
0x1be: {  	_ =	swait.ge [sflag:s30], $0x20  }
0x1bf: {  	[sflag:s30] =	ssyncset.done $0x0  }
0x1c0: {  	[sflag:s30] =	ssyncadd.s32 $0xFFFFFFE0  }
0x1c1: {  	v9 =	vld [tilespmem:$0x0];
	_ =	sdelay $0x4  }
0x1c2: {  	v9 =	vperm.xlane v9, v8;
	_ =	sdelay $0x1  }
0x1c3: {  	v9 =	vshll.u32 v9, $0x3  }
0x1c4: {  	v9 =	vor.u32 v0, v9  }
0x1c5: {  	[tilespmem:$0x20] =	vst v9  }
0x1c6: {  	[tilespmem:s6], [sflag:$0x1] =	stream.indirect.gather [hbm4b:s3+s7], $0xBB8, s16, s7, $0xb8;
	[tilespmem:$0x17740] =	vst v63  }
0x1c7: {  	v40 =	vld [tilespmem:$0x0];
	_ =	sdelay $0x4  }
0x1c8: {  	v9 =	vperm.xlane v40, v7;
	_ =	sdelay $0x1  }
0x1c9: {  	v9 =	vshll.u32 v9, $0x3  }
0x1ca: {  	v9 =	vor.u32 v0, v9  }
0x1cb: {  	[tilespmem:$0x30] =	vst v9  }
0x1cc: {  	[tilespmem:s11], [sflag:$0x2] =	stream.indirect.gather [hbm4b:s3+s7], $0xBB8, s9, s7, $0xb8;
	[tilespmem:$0x17740] =	vst v63  }
0x1cd: {  	_ =	swait.ge [sflag:s13], $0xBB80  }
0x1ce: {  	[sflag:s13] =	ssyncset.done $0x0  }
0x1cf: {  	[sflag:s13] =	ssyncadd.s32 $0xFFFF4480  }
0x1d0: {  	[hbm4b:s29+s2] =	stream.linear.scatter [tilespmem:s6], [sflag:$0x3], $0xBB80, $0x38;
	[tilespmem:$0x17740] =	vst v63  }
0x1d1: {  	v41 =	vld [tilespmem:$0x0];
	_ =	sdelay $0x4  }
0x1d2: {  	v9 =	vperm.xlane v41, v6;
	_ =	sdelay $0x1  }
0x1d3: {  	v9 =	vshll.u32 v9, $0x3  }
0x1d4: {  	v9 =	vor.u32 v0, v9  }
0x1d5: {  	[tilespmem:$0x20] =	vst v9  }
0x1d6: {  	_ =	swait.ge [sflag:s10], $0xBB80  }
0x1d7: {  	[sflag:s10] =	ssyncset.done $0x0  }
0x1d8: {  	[sflag:s10] =	ssyncadd.s32 $0xFFFF4480  }
0x1d9: {  	[tilespmem:s6], [sflag:$0x1] =	stream.indirect.gather [hbm4b:s3+s7], $0xBB8, s16, s7, $0xb8;
	[tilespmem:$0x17740] =	vst v63  }
0x1da: {  	_ =	swait.ge [sflag:s14], $0xBB80  }
0x1db: {  	[sflag:s14] =	ssyncset.done $0x0  }
0x1dc: {  	[sflag:s14] =	ssyncadd.s32 $0xFFFF4480  }
0x1dd: {  	[hbm4b:s28+s2] =	stream.linear.scatter [tilespmem:s11], [sflag:$0x4], $0xBB80, $0x38;
	[tilespmem:$0x17740] =	vst v63  }
0x1de: {  	v42 =	vld [tilespmem:$0x0];
	_ =	sdelay $0x4  }
0x1df: {  	v9 =	vperm.xlane v42, v5;
	_ =	sdelay $0x1  }
0x1e0: {  	v9 =	vshll.u32 v9, $0x3  }
0x1e1: {  	v9 =	vor.u32 v0, v9  }
0x1e2: {  	[tilespmem:$0x30] =	vst v9  }
0x1e3: {  	_ =	swait.ge [sflag:s12], $0xBB80  }
0x1e4: {  	[sflag:s12] =	ssyncset.done $0x0  }
0x1e5: {  	[sflag:s12] =	ssyncadd.s32 $0xFFFF4480  }
0x1e6: {  	[tilespmem:s11], [sflag:$0x2] =	stream.indirect.gather [hbm4b:s3+s7], $0xBB8, s9, s7, $0xb8;
	[tilespmem:$0x17740] =	vst v63  }
0x1e7: {  	_ =	swait.ge [sflag:s13], $0xBB80  }
0x1e8: {  	[sflag:s13] =	ssyncset.done $0x0  }
0x1e9: {  	[sflag:s13] =	ssyncadd.s32 $0xFFFF4480  }
0x1ea: {  	[hbm4b:s26+s2] =	stream.linear.scatter [tilespmem:s6], [sflag:$0x3], $0xBB80, $0x38;
	[tilespmem:$0x17740] =	vst v63  }
0x1eb: {  	v43 =	vld [tilespmem:$0x0];
	_ =	sdelay $0x4  }
0x1ec: {  	v9 =	vperm.xlane v43, v4;
	_ =	sdelay $0x1  }
0x1ed: {  	v9 =	vshll.u32 v9, $0x3  }
0x1ee: {  	v9 =	vor.u32 v0, v9  }
0x1ef: {  	[tilespmem:$0x20] =	vst v9  }
0x1f0: {  	_ =	swait.ge [sflag:s10], $0xBB80  }
0x1f1: {  	[sflag:s10] =	ssyncset.done $0x0  }
0x1f2: {  	[sflag:s10] =	ssyncadd.s32 $0xFFFF4480  }
0x1f3: {  	[tilespmem:s6], [sflag:$0x1] =	stream.indirect.gather [hbm4b:s3+s7], $0xBB8, s16, s7, $0xb8;
	[tilespmem:$0x17740] =	vst v63  }
0x1f4: {  	_ =	swait.ge [sflag:s14], $0xBB80  }
0x1f5: {  	[sflag:s14] =	ssyncset.done $0x0  }
0x1f6: {  	[sflag:s14] =	ssyncadd.s32 $0xFFFF4480  }
0x1f7: {  	[hbm4b:s25+s2] =	stream.linear.scatter [tilespmem:s11], [sflag:$0x4], $0xBB80, $0x38;
	[tilespmem:$0x17740] =	vst v63  }
0x1f8: {  	v44 =	vld [tilespmem:$0x0];
	_ =	sdelay $0x4  }
0x1f9: {  	v9 =	vperm.xlane v44, v3;
	_ =	sdelay $0x1  }
0x1fa: {  	v9 =	vshll.u32 v9, $0x3  }
0x1fb: {  	v9 =	vor.u32 v0, v9  }
0x1fc: {  	[tilespmem:$0x30] =	vst v9  }
0x1fd: {  	_ =	swait.ge [sflag:s12], $0xBB80  }
0x1fe: {  	[sflag:s12] =	ssyncset.done $0x0  }
0x1ff: {  	[sflag:s12] =	ssyncadd.s32 $0xFFFF4480  }
0x200: {  	[tilespmem:s11], [sflag:$0x2] =	stream.indirect.gather [hbm4b:s3+s7], $0xBB8, s9, s7, $0xb8;
	[tilespmem:$0x17740] =	vst v63  }
0x201: {  	_ =	swait.ge [sflag:s13], $0xBB80  }
0x202: {  	[sflag:s13] =	ssyncset.done $0x0  }
0x203: {  	[sflag:s13] =	ssyncadd.s32 $0xFFFF4480  }
0x204: {  	[hbm4b:s24+s2] =	stream.linear.scatter [tilespmem:s6], [sflag:$0x3], $0xBB80, $0x38;
	[tilespmem:$0x17740] =	vst v63  }
0x205: {  	v45 =	vld [tilespmem:$0x0];
	_ =	sdelay $0x4  }
0x206: {  	v9 =	vperm.xlane v45, v2;
	_ =	sdelay $0x1  }
0x207: {  	v9 =	vshll.u32 v9, $0x3  }
0x208: {  	v9 =	vor.u32 v0, v9  }
0x209: {  	[tilespmem:$0x20] =	vst v9  }
0x20a: {  	_ =	swait.ge [sflag:s10], $0xBB80  }
0x20b: {  	[sflag:s10] =	ssyncset.done $0x0  }
0x20c: {  	[sflag:s10] =	ssyncadd.s32 $0xFFFF4480  }
0x20d: {  	[tilespmem:s6], [sflag:$0x1] =	stream.indirect.gather [hbm4b:s3+s7], $0xBB8, s16, s7, $0xb8;
	[tilespmem:$0x17740] =	vst v63  }
0x20e: {  	_ =	swait.ge [sflag:s14], $0xBB80  }
0x20f: {  	[sflag:s14] =	ssyncset.done $0x0  }
0x210: {  	[sflag:s14] =	ssyncadd.s32 $0xFFFF4480  }
0x211: {  	[hbm4b:s23+s2] =	stream.linear.scatter [tilespmem:s11], [sflag:$0x4], $0xBB80, $0x38;
	[tilespmem:$0x17740] =	vst v63  }
0x212: {  	v46 =	vld [tilespmem:$0x0];
	_ =	sdelay $0x4  }
0x213: {  	v9 =	vperm.xlane v46, v1;
	_ =	sdelay $0x1  }
0x214: {  	v9 =	vshll.u32 v9, $0x3  }
0x215: {  	v9 =	vor.u32 v0, v9  }
0x216: {  	[tilespmem:$0x30] =	vst v9  }
0x217: {  	_ =	swait.ge [sflag:s12], $0xBB80  }
0x218: {  	[sflag:s12] =	ssyncset.done $0x0  }
0x219: {  	[sflag:s12] =	ssyncadd.s32 $0xFFFF4480  }
0x21a: {  	[tilespmem:s11], [sflag:$0x2] =	stream.indirect.gather [hbm4b:s3+s7], $0xBB8, s9, s7, $0xb8;
	[tilespmem:$0x17740] =	vst v63  }
0x21b: {  	_ =	swait.ge [sflag:s13], $0xBB80  }
0x21c: {  	[sflag:s13] =	ssyncset.done $0x0  }
0x21d: {  	[sflag:s13] =	ssyncadd.s32 $0xFFFF4480  }
0x21e: {  	[hbm4b:s22+s2] =	stream.linear.scatter [tilespmem:s6], [sflag:$0x3], $0xBB80, $0x38;
	[tilespmem:$0x17740] =	vst v63  }
0x21f: {  	v47 =	vld [tilespmem:$0x10];
	_ =	sdelay $0x4  }
0x220: {  	v48 =	vperm.xlane v47, v8;
	_ =	sdelay $0x1  }
0x221: {  	v8 =	vshll.u32 v48, $0x3  }
0x222: {  	v8 =	vor.u32 v0, v8  }
0x223: {  	[tilespmem:$0x20] =	vst v8  }
0x224: {  	_ =	swait.ge [sflag:s10], $0xBB80  }
0x225: {  	[sflag:s10] =	ssyncset.done $0x0  }
0x226: {  	[sflag:s10] =	ssyncadd.s32 $0xFFFF4480  }
0x227: {  	[tilespmem:s6], [sflag:$0x1] =	stream.indirect.gather [hbm4b:s3+s7], $0xBB8, s16, s7, $0xb8;
	[tilespmem:$0x17740] =	vst v63  }
0x228: {  	_ =	swait.ge [sflag:s14], $0xBB80  }
0x229: {  	[sflag:s14] =	ssyncset.done $0x0  }
0x22a: {  	[sflag:s14] =	ssyncadd.s32 $0xFFFF4480  }
0x22b: {  	[hbm4b:s21+s2] =	stream.linear.scatter [tilespmem:s11], [sflag:$0x4], $0xBB80, $0x38;
	[tilespmem:$0x17740] =	vst v63  }
0x22c: {  	v49 =	vld [tilespmem:$0x10];
	_ =	sdelay $0x4  }
0x22d: {  	v50 =	vperm.xlane v49, v7;
	_ =	sdelay $0x1  }
0x22e: {  	v7 =	vshll.u32 v50, $0x3  }
0x22f: {  	v7 =	vor.u32 v0, v7  }
0x230: {  	[tilespmem:$0x30] =	vst v7  }
0x231: {  	_ =	swait.ge [sflag:s12], $0xBB80  }
0x232: {  	[sflag:s12] =	ssyncset.done $0x0  }
0x233: {  	[sflag:s12] =	ssyncadd.s32 $0xFFFF4480  }
0x234: {  	[tilespmem:s11], [sflag:$0x2] =	stream.indirect.gather [hbm4b:s3+s7], $0xBB8, s9, s7, $0xb8;
	[tilespmem:$0x17740] =	vst v63  }
0x235: {  	_ =	swait.ge [sflag:s13], $0xBB80  }
0x236: {  	[sflag:s13] =	ssyncset.done $0x0  }
0x237: {  	[sflag:s13] =	ssyncadd.s32 $0xFFFF4480  }
0x238: {  	[hbm4b:s20+s2] =	stream.linear.scatter [tilespmem:s6], [sflag:$0x3], $0xBB80, $0x38;
	[tilespmem:$0x17740] =	vst v63  }
0x239: {  	v51 =	vld [tilespmem:$0x10];
	_ =	sdelay $0x4  }
0x23a: {  	v52 =	vperm.xlane v51, v6;
	_ =	sdelay $0x1  }
0x23b: {  	v6 =	vshll.u32 v52, $0x3  }
0x23c: {  	v6 =	vor.u32 v0, v6  }
0x23d: {  	[tilespmem:$0x20] =	vst v6  }
0x23e: {  	_ =	swait.ge [sflag:s10], $0xBB80  }
0x23f: {  	[sflag:s10] =	ssyncset.done $0x0  }
0x240: {  	[sflag:s10] =	ssyncadd.s32 $0xFFFF4480  }
0x241: {  	[tilespmem:s6], [sflag:$0x1] =	stream.indirect.gather [hbm4b:s3+s7], $0xBB8, s16, s7, $0xb8;
	[tilespmem:$0x17740] =	vst v63  }
0x242: {  	_ =	swait.ge [sflag:s14], $0xBB80  }
0x243: {  	[sflag:s14] =	ssyncset.done $0x0  }
0x244: {  	[sflag:s14] =	ssyncadd.s32 $0xFFFF4480  }
0x245: {  	[hbm4b:s19+s2] =	stream.linear.scatter [tilespmem:s11], [sflag:$0x4], $0xBB80, $0x38;
	[tilespmem:$0x17740] =	vst v63  }
0x246: {  	v53 =	vld [tilespmem:$0x10];
	_ =	sdelay $0x4  }
0x247: {  	v54 =	vperm.xlane v53, v5;
	_ =	sdelay $0x1  }
0x248: {  	v5 =	vshll.u32 v54, $0x3  }
0x249: {  	v5 =	vor.u32 v0, v5  }
0x24a: {  	[tilespmem:$0x30] =	vst v5  }
0x24b: {  	_ =	swait.ge [sflag:s12], $0xBB80  }
0x24c: {  	[sflag:s12] =	ssyncset.done $0x0  }
0x24d: {  	[sflag:s12] =	ssyncadd.s32 $0xFFFF4480  }
0x24e: {  	[tilespmem:s11], [sflag:$0x2] =	stream.indirect.gather [hbm4b:s3+s7], $0xBB8, s9, s7, $0xb8;
	[tilespmem:$0x17740] =	vst v63  }
0x24f: {  	_ =	swait.ge [sflag:s13], $0xBB80  }
0x250: {  	[sflag:s13] =	ssyncset.done $0x0  }
0x251: {  	[sflag:s13] =	ssyncadd.s32 $0xFFFF4480  }
0x252: {  	[hbm4b:s18+s2] =	stream.linear.scatter [tilespmem:s6], [sflag:$0x3], $0xBB80, $0x38;
	[tilespmem:$0x17740] =	vst v63  }
0x253: {  	v55 =	vld [tilespmem:$0x10];
	_ =	sdelay $0x4  }
0x254: {  	v56 =	vperm.xlane v55, v4;
	_ =	sdelay $0x1  }
0x255: {  	v4 =	vshll.u32 v56, $0x3  }
0x256: {  	v4 =	vor.u32 v0, v4  }
0x257: {  	[tilespmem:$0x20] =	vst v4  }
0x258: {  	_ =	swait.ge [sflag:s10], $0xBB80  }
0x259: {  	[sflag:s10] =	ssyncset.done $0x0  }
0x25a: {  	[sflag:s10] =	ssyncadd.s32 $0xFFFF4480  }
0x25b: {  	[tilespmem:s6], [sflag:$0x1] =	stream.indirect.gather [hbm4b:s3+s7], $0xBB8, s16, s7, $0xb8;
	[tilespmem:$0x17740] =	vst v63  }
0x25c: {  	_ =	swait.ge [sflag:s14], $0xBB80  }
0x25d: {  	[sflag:s14] =	ssyncset.done $0x0  }
0x25e: {  	[sflag:s14] =	ssyncadd.s32 $0xFFFF4480  }
0x25f: {  	[hbm4b:s17+s2] =	stream.linear.scatter [tilespmem:s11], [sflag:$0x4], $0xBB80, $0x38;
	[tilespmem:$0x17740] =	vst v63  }
0x260: {  	v57 =	vld [tilespmem:$0x10];
	_ =	sdelay $0x4  }
0x261: {  	v58 =	vperm.xlane v57, v3;
	_ =	sdelay $0x1  }
0x262: {  	v3 =	vshll.u32 v58, $0x3  }
0x263: {  	v3 =	vor.u32 v0, v3  }
0x264: {  	[tilespmem:$0x30] =	vst v3  }
0x265: {  	_ =	swait.ge [sflag:s12], $0xBB80  }
0x266: {  	[sflag:s12] =	ssyncset.done $0x0  }
0x267: {  	[sflag:s12] =	ssyncadd.s32 $0xFFFF4480  }
0x268: {  	[tilespmem:s11], [sflag:$0x2] =	stream.indirect.gather [hbm4b:s3+s7], $0xBB8, s9, s7, $0xb8;
	[tilespmem:$0x17740] =	vst v63  }
0x269: {  	_ =	swait.ge [sflag:s13], $0xBB80  }
0x26a: {  	[sflag:s13] =	ssyncset.done $0x0  }
0x26b: {  	[sflag:s13] =	ssyncadd.s32 $0xFFFF4480  }
0x26c: {  	[hbm4b:s15+s2] =	stream.linear.scatter [tilespmem:s6], [sflag:$0x3], $0xBB80, $0x38;
	[tilespmem:$0x17740] =	vst v63  }
0x26d: {  	v59 =	vld [tilespmem:$0x10];
	_ =	sdelay $0x4  }
0x26e: {  	v60 =	vperm.xlane v59, v2;
	_ =	sdelay $0x1  }
0x26f: {  	v2 =	vshll.u32 v60, $0x3  }
0x270: {  	v2 =	vor.u32 v0, v2  }
0x271: {  	[tilespmem:$0x20] =	vst v2  }
0x272: {  	_ =	swait.ge [sflag:s10], $0xBB80  }
0x273: {  	[sflag:s10] =	ssyncset.done $0x0  }
0x274: {  	[sflag:s10] =	ssyncadd.s32 $0xFFFF4480  }
0x275: {  	[tilespmem:s6], [sflag:$0x1] =	stream.indirect.gather [hbm4b:s3+s7], $0xBB8, s16, s7, $0xb8;
	[tilespmem:$0x17740] =	vst v63  }
0x276: {  	_ =	swait.ge [sflag:s14], $0xBB80  }
0x277: {  	[sflag:s14] =	ssyncset.done $0x0  }
0x278: {  	[sflag:s14] =	ssyncadd.s32 $0xFFFF4480  }
0x279: {  	[hbm4b:s8+s2] =	stream.linear.scatter [tilespmem:s11], [sflag:$0x4], $0xBB80, $0x38;
	[tilespmem:$0x17740] =	vst v63  }
0x27a: {  	v61 =	vld [tilespmem:$0x10];
	_ =	sdelay $0x4  }
0x27b: {  	v62 =	vperm.xlane v61, v1;
	_ =	sdelay $0x1  }
0x27c: {  	v1 =	vshll.u32 v62, $0x3  }
0x27d: {  	v63 =	vor.u32 v0, v1  }
0x27e: {  	[tilespmem:$0x30] =	vst v63  }
0x27f: {  	_ =	swait.ge [sflag:s12], $0xBB80  }
0x280: {  	[sflag:s12] =	ssyncset.done $0x0  }
0x281: {  	[sflag:s12] =	ssyncadd.s32 $0xFFFF4480  }
0x282: {  	[tilespmem:s11], [sflag:$0x2] =	stream.indirect.gather [hbm4b:s3+s7], $0xBB8, s9, s7, $0xb8;
	[tilespmem:$0x17740] =	vst v63  }
0x283: {  	_ =	swait.ge [sflag:s13], $0xBB80  }
0x284: {  	[sflag:s13] =	ssyncset.done $0x0  }
0x285: {  	[sflag:s13] =	ssyncadd.s32 $0xFFFF4480  }
0x286: {  	[hbm4b:s5+s2] =	stream.linear.scatter [tilespmem:s6], [sflag:$0x3], $0xBB80, $0x38;
	[tilespmem:$0x17740] =	vst v63  }
0x287: {  	_ =	swait.ge [sflag:s14], $0xBB80  }
0x288: {  	[sflag:s14] =	ssyncset.done $0x0  }
0x289: {  	[sflag:s14] =	ssyncadd.s32 $0xFFFF4480  }
0x28a: {  	[hbm4b:s4+s2] =	stream.linear.scatter [tilespmem:s11], [sflag:$0x4], $0xBB80, $0x38;
	[tilespmem:$0x17740] =	vst v63  }
0x28b: {  	_ =	swait.ge [sflag:s10], $0xBB80  }
0x28c: {  	[sflag:s10] =	ssyncset.done $0x0  }
0x28d: {  	[sflag:s10] =	ssyncadd.s32 $0xFFFF4480  }
0x28e: {  	_ =	swait.ge [sflag:s12], $0xBB80  }
0x28f: {  	[sflag:s12] =	ssyncset.done $0x0  }
0x290: {  	[sflag:s12] =	ssyncadd.s32 $0xFFFF4480  }
0x291: {  	_ =	sfence.sel $0x180000  }
0x292: {  	[bflag:$0x0] =	sbarrier.arrive $0xFFFF  }
0x293: {  	_ =	strace $0x90000047  }
0x294: {  	[bflag:$0x2] =	sbarrier.arrive $0xFFFF  }
0x295: {  	p0 =	sne.s32 s1, $0x0;
	s0 =	rddreg [dreg:$0x3]  }
0x296: {  	s0 =	sadd.s32 @!p0 $0x100000, s0  }
0x297: {  	[sflag:s0] =	ssyncadd.tile.s32 @!p0 $0x1;
	_ =	shalt  }
.Lfunc_end2:
_tile_overlayer_lowered:
.L_overlay_start_2:
0x298: {  	(tag) =	ssettag $0x2  }
0x299: {  	s0 =	rddreg [dreg:$0x0];
	s2 =	stileid.u32  }
0x29a: {  	s1 =	rddreg [dreg:$0x1];
	p0 =	sne.s32 s2, $0x0  }
0x29b: {  	s3 =	rddreg [dreg:$0x2];
	[bflag:$0x3] =	sbarrier.arrive $0xFFFF;
	s2 =	simm.s32 @!p0 $0x1C05  }
0x29c: {  	[timem:s3], [sflag:s2] =	dma.local @!p0 [hbm:s0], s1  }
0x29d: {  	s0 =	simm.s32 @!p0 $0x5  }
0x29e: {  	_ =	swait.ge @!p0 [sflag:s0], s1  }
0x29f: {  	s1 =	ssub.s32 @!p0 $0x0, s1;
	[sflag:s0] =	ssyncset.done @!p0 $0x0  }
0x2a0: {  	[sflag:s0] =	ssyncadd.s32 @!p0 s1  }
0x2a1: {  	[bflag:$0x3] =	sbarrier.arrive $0xFFFF  }
0x2a2: {  	_ =	shalt  }

// kernel: sparse-core-data-format-call.cloned.1.call-start
scs
called_computation_lowered:
.L_overlay_start_0:
0x0: {  	s2 =	sld [smem:$0x3FD9]  }
0x1: {  	s3 =	sld [smem:$0x3FFE];
	_ =	sdelay $0x1  }
0x2: {  	s1 =	srdreg.scid  }
0x3: {  	s0 =	sand.u32 $0x1, s1  }
0x4: {  	s18 =	sshll.u32 s0, $0xA;
	s2 =	sadd.s32 s3, s2  }
0x5: {  	s2 =	sadd.s32 s2, s18  }
0x6: {  	[smem:$0x3FC6] =	sst s2  }
0x7: {  	_ = 	snop  }
0x8: {  	s2 =	sld [smem:$0x3FD0];
	(tm) =	ssettm $0x1  }
0x9: {  	s19 =	sld [smem:$0x3FFB];
	_ =	sdelay $0x3  }
0xa: {  	_ =	strace s19  }
0xb: {  	s3 =	sld [smem:$0x3FFC];
	_ =	sdelay $0x3  }
0xc: {  	_ =	strace s3  }
0xd: {  	s3 =	sld [smem:$0x3FFD];
	_ =	sdelay $0x3  }
0xe: {  	_ =	strace s3  }
0xf: {  	_ =	strace $0x8FFFFFFF  }
0x10: {  	s20 =	sld [smem:$0x3FDB];
	_ =	sdelay $0x1  }
0x11: {  	s4 =	simm.s32 $_scs_section_size  }
0x12: {  	s5 =	simm.s32 $_size__tile_overlayer_lowered;
	s6 =	simm.s32 $_tile_overlayer_lowered  }
0x13: {  	s23 =	simm.s32 $0x1BFF;
	s22 =	sshll.u32 s6, $0x1;
	s3 =	sadd.s32 s4, s20  }
0x14: {  	s7 =	simm.s32 $0x0;
	s21 =	sshll.u32 s5, $0x1;
	s5 =	sadd.s32 s22, s3  }
0x15: {  	[timem:s7], [sflag:s23] =	dma.local [hbm:s5], s21  }
0x16: {  	_ =	swait.ge [sflag:s23], s21  }
0x17: {  	s4 =	ssub.s32 $0x0, s21;
	[sflag:s23] =	ssyncset.done $0x0  }
0x18: {  	[sflag:s23] =	ssyncadd.s32 s4;
	_ =	sdelay $0x1  }
0x19: {  	s24 =	simm.s32 $0x1B8B  }
0x1a: {  	_ =	swait.ge [sflag:s24], $0x1  }
0x1b: {  	[sflag:s24] =	ssyncset.done $0x0  }
0x1c: {  	s26 =	simm.s32 $0x1B8E;
	s25 =	sld [smem:$0x3FFE];
	[sflag:s24] =	ssyncadd.s32 $0xFFFFFFFF  }
0x1d: {  	s27 =	simm.s32 $execute0_lowered;
	[smem:$0x3FD2] =	sst s26  }
0x1e: {  	s5 =	sshll.u32 s27, $0x1;
	_ =	strace $0x80000049;
	[dreg:$0x1] =	wrdreg $0xFFFFFFFF  }
0x1f: {  	s28 =	simm.s32 $_size_execute0_lowered;
	s3 =	sadd.s32 s3, s5;
	[dreg:$0x0] =	wrdreg $0x0  }
0x20: {  	s5 =	sshll.u32 s28, $0x1;
	[dreg:$0x2] =	wrdreg s3  }
0x21: {  	[dreg:$0x3] =	wrdreg s5  }
0x22: {  	[dreg:$0x4] =	wrdreg $0xC0  }
0x23: {  	_ =	task [dreg:s7], $0x5FFFF  }
0x24: {  	[dreg:$0x1] =	wrdreg $0xFFFFFFFF  }
0x25: {  	[dreg:$0x0] =	wrdreg $0x60  }
0x26: {  	[dreg:$0x2] =	wrdreg s25  }
0x27: {  	[dreg:$0x3] =	wrdreg s2  }
0x28: {  	[dreg:$0x4] =	wrdreg $0x9  }
0x29: {  	_ =	task.clear_ibuf [dreg:s7], $0x5FFFF;
	_ =	strace $0x90000049  }
0x2a: {  	s29 =	simm.s32 $0x9;
	_ =	strace $0x8000004B  }
0x2b: {  	_ =	swait.ge [sflag:s29], $0x1  }
0x2c: {  	[sflag:s29] =	ssyncadd.s32 $0xFFFFFFFF  }
0x2d: {  	_ =	strace $0x9000004B  }
0x2e: {  	_ =	sfence  }
0x2f: {  	s30 =	sld [smem:$0x0];
	_ =	sdelay $0x2  }
0x30: {  	s31 =	sshll.u32 s1, $0xD;
	s1 =	sshrl.u32 s1, $0x2  }
0x31: {  	s3 =	sand.u32 $0x4000, s31;
	s1 =	sadd.s32 s1, s30  }
0x32: {  	s0 =	sor.u32 s3, s0;
	s1 =	sshll.u32 s1, $0x11  }
0x33: {  	s0 =	sor.u32 s1, s0  }
0x34: {  	s0 =	sadd.s32 $0x8F2B, s0  }
0x35: {  	[sflag:s0] =	ssyncadd.remote.s32 $0x1  }
0x36: {  	_ =	sfence.sel $0xFFFF  }
0x37: {  	[dreg:$0x0] =	wrdreg $0xFFFFFFFF;
	(pc) =	sbr.abs _section_cstart, $3  }
0x38: {  	[dreg:$0x1] =	wrdreg $0xFFFFFFFF  }
0x39: {  	_ =	task.clear_ibuf [dreg:s7], $0x2FFFF;
	_ =	strace $0x9FFFFFFF  }
0x3a: {  	(tm) =	ssettm $0x7FFFFFFF  }
0x3b: {  	_ =	shalt  }
tec
execute0_lowered:
.L_overlay_start_1:
0x0: {  	(tag) =	ssettag $0x1  }
0x1: {  	s0 =	srdreg.scid  }
0x2: {  	s1 =	sshll.u32 s0, $0x4  }
0x3: {  	s6 =	rddreg [dreg:$0x0];
	s0 =	stileid.u32;
	s1 =	sand.u32 $0x10, s1  }
0x4: {  	s3 =	rddreg [dreg:$0x1];
	s1 =	sor.u32 s0, s1  }
0x5: {  	s5 =	simm.s32 $0x1;
	s31 =	simm.s32 $0x2;
	s2 =	sshll.u32 s1, $0x7  }
0x6: {  	s15 =	simm.s32 $0x0;
	s8 =	simm.s32 $0x10000;
	s4 =	ssub.s32 $0x2000, s2  }
0x7: {  	s14 =	simm.s32 $0x0;
	s9 =	simm.s32 $0x0;
	s30 =	sand.u32 $0xF80, s4  }
0x8: {  	s10 =	simm.s32 $0x0;
	s11 =	simm.s32 $0x0;
	p0 =	sne.s32 s30, $0x0  }
.Ltmp0:
0x9: {  	s7 =	sshrl.u32 s4, $0xC;
	s5 =	simm.s32 @!p0 $0x0;
	(pc) =	sbr.rel .LBB1_1-.Ltmp0, $4  }
0xa: {  	s13 =	simm.s32 $0x0;
	s1 =	rddreg [dreg:$0x2];
	s5 =	sadd.s32 s5, s7  }
0xb: {  	_ =	strace $0x8000004A;
	s4 =	simm.s32 $0x1;
	s5 =	smul.u32 $0x18, s5  }
0xc: {  	s6 =	sadd.s32 $0x800, s6;
	s12 =	smov.u32 s2;
	[sflag:s4] =	ssyncpa.u1 $0x0  }
0xd: {  	[sflag:s31] =	ssyncpa.u1 $0x0;
	p0 =	por $0x0, $0x0;
	s7 =	sor.u32 $0x1, s5  }
.LBB1_4:
0xe: {  	s20 =	sshra.s32 s20, $0x2  }
0xf: {  	s28 =	sand.u32 $0x78, s10;
	s21 =	sshll.u32 s9, $0xD;
	s22 =	sshll.u32 s10, $0x3  }
0x10: {  	s24 =	sshll.u32 s9, $0x7;
	p1 =	sgt.s32 s9, $0xB38;
	s30 =	sshra.s32 s9, $0x1F  }
0x11: {  	s26 =	sshra.s32 s10, $0x1F;
	s19 =	sadd.s32 s20, s19;
	s21 =	sand.u32 $0xFFFF0000, s21  }
0x12: {  	v5 =	vld [tilespmem:s17+$0xFFFFFFD0];
	[tilespmem:s18+$0x2040 ss:$0x81] =	vst.msk $0xffff, v4;
	s23 =	sand.u32 $0xFFFFFC00, s22;
	s29 =	sand.u32 $0x380, s24;
	s22 =	sand.u32 $0x1C00, s22  }
0x13: {  	v58 =	vld [tilespmem:s17+$0xFFFFFFE0];
	[tilespmem:s18+$0x2850 ss:$0x81] =	vst.msk $0xffff, v3;
	s21 =	sadd.s32 s23, s21;
	s20 =	sor.u32 s28, s22;
	s22 =	smov.u32 s9  }
0x14: {  	v59 =	vld [tilespmem:s17+$0xFFFFFFF0];
	[tilespmem:s18+$0x3060 ss:$0x81] =	vst.msk $0xffff, v2;
	s24 =	sand.u32 s30, s9;
	s21 =	sshrl.u32 s21, $0xD;
	s22 =	simm.s32 @!p1 $0xB38  }
0x15: {  	v60 =	vld [tilespmem:s17+$0x0];
	[tilespmem:s18+$0x0 ss:$0x81] =	vst.msk $0xffff, v1;
	p1 =	sgt.s32 s10, $0x1F80;
	s31 =	ssub.s32 s22, s24;
	s22 =	smov.u32 s10  }
0x16: {  	v61 =	vld [tilespmem:s17+$0x10];
	[tilespmem:s19+$0x3870 ss:$0x81] =	vst.msk $0xffff, v0;
	s25 =	smulhi.u32 $0x15D868, s21;
	s24 =	sand.u32 s26, s10;
	s22 =	simm.s32 @!p1 $0x1F80  }
0x17: {  	v62 =	vld [tilespmem:s17+$0x20];
	s20 =	sor.u32 s29, s20;
	[tilespmem:s19+$0x810 ss:$0x81] =	vst.msk $0xffff, v5;
	s27 =	sadd.s32 $0xFFFFF4C8, s31;
	s22 =	ssub.s32 s22, s24  }
0x18: {  	v63 =	vld [tilespmem:s17+$0xFFFFFFC0];
	[tilespmem:s19+$0x1020 ss:$0x81] =	vst.msk $0xffff, v58;
	s18 =	ssub.s32 $0xBB8, s31;
	s28 =	smul.u32 $0xBB8, s25;
	s29 =	sadd.s32 $0xFFFFE080, s22  }
0x19: {  	[tilespmem:s19+$0x1830 ss:$0x81] =	vst.msk $0xffff, v59;
	p1 =	sgt.s32 s27, $0x7F;
	s22 =	ssub.s32 $0x2000, s22;
	p2 =	sgt.s32 s29, $0x7F  }
0x1a: {  	s30 =	sand.u32 $0x7, s10;
	[tilespmem:s19+$0x2040 ss:$0x81] =	vst.msk $0xffff, v60;
	s18 =	simm.s32 @p1 $0x0;
	s22 =	simm.s32 @p2 $0x0  }
0x1b: {  	s20 =	sshrl.u32 s20, $0x3;
	[tilespmem:s19+$0x2850 ss:$0x81] =	vst.msk $0xffff, v61;
	s17 =	ssub.s32 s21, s28;
	s18 =	smul.u32 s22, s18  }
0x1c: {  	[tilespmem:s19+$0x3060 ss:$0x81] =	vst.msk $0xffff, v62;
	s20 =	sadd.s32 s3, s20;
	s21 =	sshll.u32 s30, $0x12;
	s17 =	sshll.u32 s17, $0xA  }
0x1d: {  	[tilespmem:s19+$0x0 ss:$0x81] =	vst.msk $0xffff, v63;
	s31 =	sor.u32 $0x400, s21;
	s17 =	sadd.s32 s17, s20;
	s18 =	sand.u32 $0x3FFFFFFF, s18  }
0x1e: {  	[hbm4b:s17+s31] =	stream.strided.scatter [tilespmem:s16], [sflag:$0x2], s18, s8, s31, $0x20;
	[tilespmem:$0x10100] =	vst v63  }
.LBB1_5:
0x1f: {  	p1 =	slt.u32 s13, $0x2  }
0x20: {  	s17 =	smov.u32 s15;
	p2 =	sgt.s32 @!p1 s15, $0xB38;
	s16 =	sshra.s32 @!p1 s15, $0x1F  }
0x21: {  	p3 =	sgt.s32 @!p1 s14, $0x1F80;
	s18 =	sshra.s32 @!p1 s14, $0x1F;
	p2 =	por !p2, p1  }
0x22: {  	s15 =	sand.u32 @!p1 s16, s15;
	p3 =	por !p3, p1;
	s16 =	smov.u32 s14  }
0x23: {  	s14 =	sand.u32 @!p1 s18, s14;
	s17 =	simm.s32 @p2 $0xB38;
	s16 =	simm.s32 @p3 $0x1F80  }
0x24: {  	s15 =	ssub.s32 @!p1 s17, s15;
	s14 =	ssub.s32 @!p1 s16, s14  }
0x25: {  	s18 =	smov.u32 s12;
	s16 =	sadd.s32 @!p1 $0xFFFFF4C8, s15;
	s17 =	sadd.s32 @!p1 $0xFFFFE080, s14  }
0x26: {  	s15 =	ssub.s32 @!p1 $0xBB8, s15;
	p2 =	sgt.s32 @!p1 s16, $0x7F;
	p3 =	sgt.s32 @!p1 s17, $0x7F  }
0x27: {  	s14 =	ssub.s32 @!p1 $0x2000, s14;
	p2 =	por !p2, p1;
	p3 =	por !p3, p1  }
0x28: {  	s16 =	sadd.s32 $0x80, s11;
	s15 =	simm.s32 @!p2 $0x0;
	s14 =	simm.s32 @!p3 $0x0  }
0x29: {  	p2 =	sgt.s32 s16, $0xBB7;
	s14 =	smul.u32 @!p1 s14, s15;
	s15 =	sadd.s32 $0x1000, s12  }
0x2a: {  	s18 =	smov.u32 @p2 s15  }
0x2b: {  	s16 =	simm.s32 @p2 $0x0;
	p2 =	sgt.s32 s18, $0x1FFF  }
0x2c: {  	s18 =	smov.u32 @p2 s2;
	p2 =	sne.s32 s13, s7  }
.Ltmp1:
0x2d: {  	p0 =	por !p0, !p0;
	s17 =	simm.s32 @!p1 $0x2;
	(pc) =	sbr.rel @!p2 .LBB1_6-.Ltmp1, $4  }
0x2e: {  	s15 =	smov.u32 s9;
	s9 =	smov.u32 s11;
	s14 =	sand.u32 @!p1 $0x3FFFFFFF, s14  }
0x2f: {  	s11 =	smov.u32 s16;
	_ =	swait.ge @!p1 [sflag:s17], s14;
	s19 =	ssub.s32 @!p1 $0x0, s14  }
0x30: {  	s14 =	smov.u32 s10;
	s13 =	sadd.s32 $0x1, s13;
	[sflag:s17] =	ssyncset.done @!p1 $0x0  }
0x31: {  	s10 =	smov.u32 s12;
	s12 =	smov.u32 s18;
	[sflag:s17] =	ssyncadd.s32 @!p1 s19  }
.LBB1_1:
0x32: {  	p1 =	sge.u32 s13, s5  }
0x33: {  	s16 =	sshrl.u32 @!p1 s12, $0x3  }
0x34: {  	s17 =	sshll.u32 @!p1 s11, $0x3;
	s18 =	sshll.u32 @!p1 s12, $0x7;
	s16 =	smul.u32 @!p1 $0x6000, s16  }
0x35: {  	s19 =	sand.u32 @!p1 $0x7F, s11;
	s17 =	sand.u32 @!p1 $0xFFFFFC00, s17;
	s18 =	sand.u32 @!p1 $0x380, s18  }
0x36: {  	s16 =	sadd.s32 @!p1 s16, s17;
	s17 =	sor.u32 @!p1 s19, s18  }
0x37: {  	s17 =	sor.u32 @!p1 s16, s17  }
0x38: {  	s18 =	smulhi.u32 @!p1 $0xAAAAAAAB, s17;
	_ =	sdelay $0x1  }
0x39: {  	s16 =	smulhi.u32 @!p1 $0xAAAAAAAB, s16;
	s18 =	sshrl.u32 @!p1 s18, $0xB  }
0x3a: {  	s18 =	smul.u32 @!p1 $0xC00, s18  }
0x3b: {  	s31 =	sadd.s32 $0xFFFFFFFF, s13;
	s19 =	sxor.u32 @!p1 $0xFFFFFFFF, s13;
	s16 =	sshrl.u32 @!p1 s16, $0xB  }
0x3c: {  	s19 =	sshll.u32 @!p1 s19, $0xE;
	s16 =	sand.u32 @!p1 $0x1FFF, s16;
	s17 =	ssub.s32 @!p1 s17, s18  }
0x3d: {  	s16 =	smul.u32 @!p1 $0x180, s16;
	s18 =	sshrl.u32 @!p1 s17, $0x3;
	s17 =	sand.u32 @!p1 $0x7, s17  }
0x3e: {  	s19 =	sand.u32 @!p1 $0x4000, s19;
	s18 =	sadd.s32 @!p1 s6, s18;
	s17 =	sshll.u32 @!p1 s17, $0x12  }
0x3f: {  	s16 =	sadd.s32 @!p1 s16, s18;
	s17 =	sor.u32 @!p1 $0x400, s17;
	s18 =	simm.s32 @!p1 $0x6000  }
0x40: {  	[tilespmem:s19], [sflag:$0x1] =	stream.strided.gather @!p1 [hbm4b:s16+s17], $0x4000, s18, s17, $0x38;
	[tilespmem:$0x10100] =	vst v63  }
0x41: {  	p1 =	sge.u32 s31, s5  }
.Ltmp2:
0x42: {  	_ = 	snop;
	(pc) =	sbr.rel @p1 .LBB1_5-.Ltmp2, $1  }
0x43: {  	_ =	sdelay $0x3  }
0x44: {  	s16 =	simm.s32 $0x1  }
0x45: {  	_ =	swait.ge [sflag:s4], $0x4000;
	s16 =	simm.s32 @!p0 $0x0  }
0x46: {  	[sflag:s4] =	ssyncset.done $0x0;
	s17 =	sshll.u32 s16, $0xE  }
0x47: {  	[sflag:s4] =	ssyncadd.s32 $0xFFFFC000;
	s17 =	sor.u32 $0x40, s17  }
0x48: {  	s16 =	smul.u32 $0x10200, s16;
	v0 =	vld [tilespmem:s17+$0x30]  }
0x49: {  	v1 =	vld [tilespmem:s17+$0xFFFFFFD0]  }
0x4a: {  	s16 =	sshrl.u32 s16, $0x2;
	v5 =	vld [tilespmem:s17+$0xFFFFFFE0]  }
0x4b: {  	v6 =	vld [tilespmem:s17+$0xFFFFFFF0];
	s19 =	sor.u32 $0x8000, s16  }
0x4c: {  	s31 =	sand.u32 $0x1, s13;
	v4 =	vld [tilespmem:s17+$0x0];
	s18 =	sadd.s32 $0x0, s19  }
0x4d: {  	v3 =	vld [tilespmem:s17+$0x10];
	s16 =	smul.u32 $0x10200, s31;
	[tilespmem:s18+$0x3870 ss:$0x81] =	vst.msk $0xffff, v0  }
0x4e: {  	v2 =	vld [tilespmem:s17+$0x20];
	[tilespmem:s18+$0x810 ss:$0x81] =	vst.msk $0xffff, v1  }
0x4f: {  	s16 =	sshrl.u32 s16, $0x2;
	v1 =	vld [tilespmem:s17+$0xFFFFFFC0];
	[tilespmem:s18+$0x1020 ss:$0x81] =	vst.msk $0xffff, v5;
	s17 =	sadd.s32 $0x80, s17  }
0x50: {  	s20 =	simm.s32 $0x4;
	s21 =	simm.s32 $0x8;
	s16 =	sor.u32 $0x8000, s16;
	[tilespmem:s18+$0x1830 ss:$0x81] =	vst.msk $0xffff, v6;
	v0 =	vld [tilespmem:s17+$0x30]  }
.LBB1_3:
0x51: {  	p1 =	sne.s32 s21, $0x1FC;
	v5 =	vld [tilespmem:s17+$0xFFFFFFD0];
	[tilespmem:s18+$0x2040 ss:$0x81] =	vst.msk $0xffff, v4  }
0x52: {  	v6 =	vld [tilespmem:s17+$0xFFFFFFE0];
	[tilespmem:s18+$0x2850 ss:$0x81] =	vst.msk $0xffff, v3  }
0x53: {  	s22 =	sshra.s32 s20, $0x2;
	s20 =	smov.u32 s21;
	v7 =	vld [tilespmem:s17+$0xFFFFFFF0];
	[tilespmem:s18+$0x3060 ss:$0x81] =	vst.msk $0xffff, v2  }
.Ltmp3:
0x54: {  	v4 =	vld [tilespmem:s17+$0x0];
	[tilespmem:s18+$0x0 ss:$0x81] =	vst.msk $0xffff, v1;
	s18 =	sadd.s32 s22, s19;
	(pc) =	sbr.rel @p1 .LBB1_3-.Ltmp3, $4  }
0x55: {  	v3 =	vld [tilespmem:s17+$0x10];
	[tilespmem:s18+$0x3870 ss:$0x81] =	vst.msk $0xffff, v0  }
0x56: {  	[tilespmem:s18+$0x810 ss:$0x81] =	vst.msk $0xffff, v5;
	v2 =	vld [tilespmem:s17+$0x20]  }
0x57: {  	v1 =	vld [tilespmem:s17+$0xFFFFFFC0];
	[tilespmem:s18+$0x1020 ss:$0x81] =	vst.msk $0xffff, v6;
	s17 =	sadd.s32 $0x80, s17  }
0x58: {  	s21 =	sadd.s32 $0x4, s21;
	v0 =	vld [tilespmem:s17+$0x30];
	[tilespmem:s18+$0x1830 ss:$0x81] =	vst.msk $0xffff, v7  }
.Ltmp4:
0x59: {  	_ = 	snop;
	(pc) =	sbr.rel .LBB1_4-.Ltmp4, $1  }
0x5a: {  	_ =	sdelay $0x3  }
.LBB1_6:
0x5b: {  	_ =	sfence.sel $0x180000  }
0x5c: {  	s2 =	simm.s32 $0x1;
	[bflag:$0x0] =	sbarrier.arrive $0xFFFF  }
0x5d: {  	s31 =	simm.s32 $0x2;
	[sflag:s2] =	ssyncpa.u1 $0x1  }
0x5e: {  	[sflag:s31] =	ssyncpa.u1 $0x1  }
0x5f: {  	p0 =	sne.s32 s0, $0x0;
	_ =	strace $0x9000004A  }
0x60: {  	s0 =	sadd.s32 @!p0 $0x100000, s1;
	[bflag:$0x2] =	sbarrier.arrive $0xFFFF  }
0x61: {  	[sflag:s0] =	ssyncadd.tile.s32 @!p0 $0x1;
	_ =	shalt  }
.Lfunc_end1:
_tile_overlayer_lowered:
.L_overlay_start_2:
0x62: {  	(tag) =	ssettag $0x2  }
0x63: {  	s0 =	rddreg [dreg:$0x0];
	s2 =	stileid.u32  }
0x64: {  	s1 =	rddreg [dreg:$0x1];
	p0 =	sne.s32 s2, $0x0  }
0x65: {  	s3 =	rddreg [dreg:$0x2];
	[bflag:$0x3] =	sbarrier.arrive $0xFFFF;
	s2 =	simm.s32 @!p0 $0x1C01  }
0x66: {  	[timem:s3], [sflag:s2] =	dma.local @!p0 [hbm:s0], s1  }
0x67: {  	s0 =	simm.s32 @!p0 $0x1  }
0x68: {  	_ =	swait.ge @!p0 [sflag:s0], s1  }
0x69: {  	s1 =	ssub.s32 @!p0 $0x0, s1;
	[sflag:s0] =	ssyncset.done @!p0 $0x0  }
0x6a: {  	[sflag:s0] =	ssyncadd.s32 @!p0 s1  }
0x6b: {  	[bflag:$0x3] =	sbarrier.arrive $0xFFFF  }
0x6c: {  	_ =	shalt  }

</sc_bundles>
